<compile_context>
chip_gen: v7x
topology: tpu7x:2x2x1
jax: 0.10.2.dev20260603
libtpu: 0.0.44.dev20260713+nightly
codegen_flags: <defaults>
</compile_context>

<pallas_src>
import numpy as np
import jax
import jax.numpy as jnp
from jax import lax
from jax.experimental import pallas as pl
from jax.experimental.pallas import tpu as pltpu
from jax.experimental.pallas import tpu_sc as plsc

_N = 800000
_G = 4096
_D2 = 1.0

_LANES = 16
_NW = 32
_VPW = 1562
_CHV = 20
_CHR = _CHV * _LANES
_NFULL = _VPW // _CHV
_REMV = _VPW - _NFULL * _CHV
_TAILR = _N - _NW * _VPW * _LANES
_TAILV = _TAILR // _LANES


def _sc_body(pos_hbm, q_hbm, b_hbm, f_hbm, part_hbm, pb, qb, fb, bb, acc):
    c = lax.axis_index("c")
    s = lax.axis_index("s")
    wid = c * 16 + s

    fzero = jnp.zeros((_LANES,), jnp.float32)

    def zbody(i, carry):
        acc[pl.ds(i * _LANES, _LANES)] = fzero
        return carry

    lax.fori_loop(0, _G // _LANES, zbody, 0)

    i0 = lax.iota(jnp.int32, _LANES)
    c0 = i0 * 0
    c1 = c0 + 1
    c2 = c0 + 2

    def chunk(row0, nvec):
        nrow = nvec * _LANES
        pltpu.sync_copy(pos_hbm.at[pl.ds(row0, nrow)], pb.at[pl.ds(0, nrow)])
        pltpu.sync_copy(q_hbm.at[pl.ds(row0, nrow)], qb.at[pl.ds(0, nrow)])
        pltpu.sync_copy(b_hbm.at[pl.ds(row0, nrow)], bb.at[pl.ds(0, nrow)])

        def vbody(v, carry):
            rows = i0 + v * _LANES
            x = plsc.load_gather(pb, [rows, c0])
            y = plsc.load_gather(pb, [rows, c1])
            z = plsc.load_gather(pb, [rows, c2])
            x0 = plsc.load_gather(qb, [rows, c0])
            y0 = plsc.load_gather(qb, [rows, c1])
            z0 = plsc.load_gather(qb, [rows, c2])
            dx = x - x0
            dy = y - y0
            dz = z - z0
            u = dx * dx - _D2
            plsc.store_scatter(fb, [rows, c0], dx * (u * -4.0))
            plsc.store_scatter(fb, [rows, c1], -dy)
            plsc.store_scatter(fb, [rows, c2], -dz)
            e = u * u + 0.5 * (dy * dy + dz * dz)
            ids = bb[pl.ds(v * _LANES, _LANES)]
            plsc.addupdate_scatter(acc, [ids], e)
            return carry

        lax.fori_loop(0, nvec, vbody, 0)
        pltpu.sync_copy(fb.at[pl.ds(0, nrow)], f_hbm.at[pl.ds(row0, nrow)])

    base = wid * (_VPW * _LANES)

    def cbody(k, carry):
        chunk(base + k * _CHR, _CHV)
        return carry

    lax.fori_loop(0, _NFULL, cbody, 0)
    chunk(base + _NFULL * _CHR, _REMV)

    @pl.when(wid == 0)
    def _tail():
        chunk(jnp.int32(_N - _TAILR), _TAILV)

    pltpu.sync_copy(acc, part_hbm.at[wid])


def _reduce_body(p_ref, o_ref):
    o_ref[...] = jnp.sum(p_ref[...], axis=0, keepdims=True)


def kernel(pos, pos0, batch):
    mesh = plsc.VectorSubcoreMesh(core_axis_name="c", subcore_axis_name="s")
    forces, parts = pl.kernel(
        _sc_body,
        mesh=mesh,
        compiler_params=pltpu.CompilerParams(needs_layout_passes=False),
        out_type=[
            jax.ShapeDtypeStruct((_N, 3), jnp.float32),
            jax.ShapeDtypeStruct((_NW, _G), jnp.float32),
        ],
        scratch_types=[
            pltpu.VMEM((_CHR, 3), jnp.float32),
            pltpu.VMEM((_CHR, 3), jnp.float32),
            pltpu.VMEM((_CHR, 3), jnp.float32),
            pltpu.VMEM((_CHR,), jnp.int32),
            pltpu.VMEM((_G,), jnp.float32),
        ],
    )(pos, pos0, batch)

    energy2d = pl.pallas_call(
        _reduce_body,
        out_shape=jax.ShapeDtypeStruct((1, _G), jnp.float32),
    )(parts)
    return energy2d.reshape(_G), forces

# --- scband reference (transcript-rebuilt; emitter-appended) ---
"""Pipeline reference for scband-double-well-potential-6313601925570 (READ-ONLY COPY).

The authoritative reference and input builder live on the scoring server;
editing this copy changes nothing except your own understanding.
"""

import jax, jax.numpy as jnp
import numpy as np

N = 800000
NUM_GRAPHS = 4096
D = 1.0
A = 1.0
K_Y = 1.0
K_Z = 1.0


def setup_inputs(seed: int = 0) -> dict:
    key = jax.random.key(seed)
    k1, k2, k3 = jax.random.split(key, 3)
    pos = jax.random.normal(k1, (N, 3), dtype=jnp.float32)
    pos0 = jax.random.normal(k2, (N, 3), dtype=jnp.float32)
    batch = jnp.sort(jax.random.randint(k3, (N,), 0, NUM_GRAPHS, dtype=jnp.int32))
    return {"pos": pos, "pos0": pos0, "batch": batch}


def reference(pos, pos0, batch):
    def energy_fn(p):
        dr = p - pos0
        dx = dr[:, 0]
        dy = dr[:, 1]
        dz = dr[:, 2]
        dw = A * (dx - D) ** 2 * (dx + D) ** 2
        harm = 0.5 * K_Y * dy ** 2 + 0.5 * K_Z * dz ** 2
        e_per_atom = dw + harm
        energy = jax.ops.segment_sum(e_per_atom, batch, num_segments=NUM_GRAPHS)
        return energy

    energy = energy_fn(pos)
    forces = -jax.grad(lambda p: energy_fn(p).sum())(pos)
    return (energy, forces)

if __name__ == "__main__":
    import jax
    _d = setup_inputs()
    print(jax.jit(kernel)(*tuple(_d.values())))

</pallas_src>

<mosaic_0001>
#map = affine_map<(d0, d1) -> (0, 0)>
#map1 = affine_map<(d0, d1) -> (0)>
module attributes {stable_mosaic.version = 14 : i64} {
  func.func @_sc_body(%arg0: i32, %arg1: i32, %arg2: memref<800000x3xf32, #tpu.memory_space<hbm>>, %arg3: memref<800000x3xf32, #tpu.memory_space<hbm>>, %arg4: memref<800000xi32, #tpu.memory_space<hbm>>, %arg5: memref<800000x3xf32, #tpu.memory_space<hbm>>, %arg6: memref<32x4096xf32, #tpu.memory_space<hbm>>, %arg7: memref<320x3xf32, #tpu.memory_space<vmem>>, %arg8: memref<320x3xf32, #tpu.memory_space<vmem>>, %arg9: memref<320x3xf32, #tpu.memory_space<vmem>>, %arg10: memref<320xi32, #tpu.memory_space<vmem>>, %arg11: memref<4096xf32, #tpu.memory_space<vmem>>) attributes {dimension_semantics = [#tpu.dimension_semantics<core_parallel>, #tpu.dimension_semantics<subcore_parallel>], iteration_bounds = array<i64: 2, 16>, scalar_prefetch = 0 : i64, scratch_operands = 5 : i64, tpu.core_type = #tpu.core_type<sc_vector_subcore>, window_params = [{transform_indices = #map}, {transform_indices = #map}, {transform_indices = #map1}, {transform_indices = #map}, {transform_indices = #map}]} {
    %mul3A = arith.constant 16 : i32
    %mul3A_0 = arith.muli %arg0, %mul3A : i32
    %add3A = arith.addi %mul3A_0, %arg1 : i32
    %broadcast_in_dim3A = arith.constant 0.000000e+00 : f32
    %broadcast_in_dim3A_1 = vector.broadcast %broadcast_in_dim3A : f32 to vector<16xf32>
    %scan3A = arith.constant 0 : i32
    %scan3A_2 = arith.constant 0 : i32
    %scan3A_3 = arith.constant 256 : i32
    %scan3A_4 = arith.addi %scan3A_2, %scan3A_3 : i32
    %scan3A_5 = arith.constant 1 : i32
    scf.for %scan3A_34 = %scan3A_2 to %scan3A_4 step %scan3A_5  : i32 {
      %mul3A_35 = arith.constant 16 : i32
      %mul3A_36 = arith.muli %scan3A_34, %mul3A_35 : i32
      %swap3A = arith.index_cast %mul3A_36 : i32 to index
      %swap3A_37 = tpu.vector_load %arg11[%swap3A] {strides = array<i32>} : memref<4096xf32, #tpu.memory_space<vmem>>, vector<16xf32>,
      tpu.vector_store %arg11[%swap3A], %broadcast_in_dim3A_1 {strides = array<i32>} : memref<4096xf32, #tpu.memory_space<vmem>>, vector<16xf32>,
    }
    %scan3A_6 = arith.constant 256 : i32
    %iota3A = tpu.iota {dimensions = array<i32: 0>} : vector<16xi32>
    %mul3A_7 = arith.constant 0 : i32
    %mul3A_8 = vector.broadcast %mul3A_7 : i32 to vector<16xi32>
    %mul3A_9 = arith.muli %iota3A, %mul3A_8 : vector<16xi32>
    %add3A_10 = arith.constant 1 : i32
    %add3A_11 = vector.broadcast %add3A_10 : i32 to vector<16xi32>
    %add3A_12 = arith.addi %mul3A_9, %add3A_11 : vector<16xi32>
    %add3A_13 = arith.constant 2 : i32
    %add3A_14 = vector.broadcast %add3A_13 : i32 to vector<16xi32>
    %add3A_15 = arith.addi %mul3A_9, %add3A_14 : vector<16xi32>
    %mul3A_16 = arith.constant 24992 : i32
    %mul3A_17 = arith.muli %add3A, %mul3A_16 : i32
    %scan3A_18 = arith.constant 0 : i32
    %scan3A_19 = arith.constant 0 : i32
    %scan3A_20 = arith.constant 78 : i32
    %scan3A_21 = arith.addi %scan3A_19, %scan3A_20 : i32
    %scan3A_22 = arith.constant 1 : i32
    scf.for %scan3A_34 = %scan3A_19 to %scan3A_21 step %scan3A_22  : i32 {
      %mul3A_35 = arith.constant 320 : i32
      %mul3A_36 = arith.muli %scan3A_34, %mul3A_35 : i32
      %add3A_37 = arith.addi %mul3A_17, %mul3A_36 : i32
      "tpu.region"() ({
        %run_scoped3A = tpu.sem_alloc : memref<!tpu.dma_semaphore, #tpu.memory_space<semaphore_mem>>
        %dma_start3A = arith.constant 0 : i32
        %dma_start3A_44 = arith.constant 0 : i32
        %dma_start3A_45 = tpu.memref_slice %arg7[%dma_start3A, %dma_start3A_44] : memref<320x3xf32, #tpu.memory_space<vmem>> -> memref<320x3xf32, #tpu.memory_space<vmem>>
        %dma_start3A_46 = arith.constant 0 : i32
        %dma_start3A_47 = tpu.memref_slice %arg2[%add3A_37, %dma_start3A_46] : memref<800000x3xf32, #tpu.memory_space<hbm>> -> memref<320x3xf32, #tpu.memory_space<hbm>>
        %dma_start3A_48 = arith.constant 0 : i32
        %dma_start3A_49 = arith.constant 0 : i32
        %dma_start3A_50 = tpu.memref_slice %arg7[%dma_start3A_48, %dma_start3A_49] : memref<320x3xf32, #tpu.memory_space<vmem>> -> memref<320x3xf32, #tpu.memory_space<vmem>>
        %dma_start3A_51 = arith.constant 0 : i32
        %dma_start3A_52 = tpu.memref_slice %arg2[%add3A_37, %dma_start3A_51] : memref<800000x3xf32, #tpu.memory_space<hbm>> -> memref<320x3xf32, #tpu.memory_space<hbm>>
        tpu.enqueue_dma source(%dma_start3A_52 : memref<320x3xf32, #tpu.memory_space<hbm>>) target(%dma_start3A_50 : memref<320x3xf32, #tpu.memory_space<vmem>>) target_semaphore(%run_scoped3A : memref<!tpu.dma_semaphore, #tpu.memory_space<semaphore_mem>>)
        %dma_wait3A = arith.constant 0 : i32
        %dma_wait3A_53 = arith.constant 0 : i32
        %dma_wait3A_54 = tpu.memref_slice %arg7[%dma_wait3A, %dma_wait3A_53] : memref<320x3xf32, #tpu.memory_space<vmem>> -> memref<320x3xf32, #tpu.memory_space<vmem>>
        %dma_wait3A_55 = arith.constant 0 : i32
        %dma_wait3A_56 = tpu.memref_slice %arg2[%add3A_37, %dma_wait3A_55] : memref<800000x3xf32, #tpu.memory_space<hbm>> -> memref<320x3xf32, #tpu.memory_space<hbm>>
        %dma_wait3A_57 = arith.constant 0 : i32
        %dma_wait3A_58 = arith.constant 0 : i32
        %dma_wait3A_59 = tpu.memref_slice %arg7[%dma_wait3A_57, %dma_wait3A_58] : memref<320x3xf32, #tpu.memory_space<vmem>> -> memref<320x3xf32, #tpu.memory_space<vmem>>
        %dma_wait3A_60 = arith.constant 0 : i32
        %dma_wait3A_61 = tpu.memref_slice %arg2[%add3A_37, %dma_wait3A_60] : memref<800000x3xf32, #tpu.memory_space<hbm>> -> memref<320x3xf32, #tpu.memory_space<hbm>>
        tpu.wait_dma2 semaphore(%run_scoped3A : memref<!tpu.dma_semaphore, #tpu.memory_space<semaphore_mem>>) src(%dma_wait3A_61 : memref<320x3xf32, #tpu.memory_space<hbm>>) dst(%dma_wait3A_59 : memref<320x3xf32, #tpu.memory_space<vmem>>)
        tpu.yield
      }) : () -> ()
      "tpu.region"() ({
        %run_scoped3A = tpu.sem_alloc : memref<!tpu.dma_semaphore, #tpu.memory_space<semaphore_mem>>
        %dma_start3A = arith.constant 0 : i32
        %dma_start3A_44 = arith.constant 0 : i32
        %dma_start3A_45 = tpu.memref_slice %arg8[%dma_start3A, %dma_start3A_44] : memref<320x3xf32, #tpu.memory_space<vmem>> -> memref<320x3xf32, #tpu.memory_space<vmem>>
        %dma_start3A_46 = arith.constant 0 : i32
        %dma_start3A_47 = tpu.memref_slice %arg3[%add3A_37, %dma_start3A_46] : memref<800000x3xf32, #tpu.memory_space<hbm>> -> memref<320x3xf32, #tpu.memory_space<hbm>>
        %dma_start3A_48 = arith.constant 0 : i32
        %dma_start3A_49 = arith.constant 0 : i32
        %dma_start3A_50 = tpu.memref_slice %arg8[%dma_start3A_48, %dma_start3A_49] : memref<320x3xf32, #tpu.memory_space<vmem>> -> memref<320x3xf32, #tpu.memory_space<vmem>>
        %dma_start3A_51 = arith.constant 0 : i32
        %dma_start3A_52 = tpu.memref_slice %arg3[%add3A_37, %dma_start3A_51] : memref<800000x3xf32, #tpu.memory_space<hbm>> -> memref<320x3xf32, #tpu.memory_space<hbm>>
        tpu.enqueue_dma source(%dma_start3A_52 : memref<320x3xf32, #tpu.memory_space<hbm>>) target(%dma_start3A_50 : memref<320x3xf32, #tpu.memory_space<vmem>>) target_semaphore(%run_scoped3A : memref<!tpu.dma_semaphore, #tpu.memory_space<semaphore_mem>>)
        %dma_wait3A = arith.constant 0 : i32
        %dma_wait3A_53 = arith.constant 0 : i32
        %dma_wait3A_54 = tpu.memref_slice %arg8[%dma_wait3A, %dma_wait3A_53] : memref<320x3xf32, #tpu.memory_space<vmem>> -> memref<320x3xf32, #tpu.memory_space<vmem>>
        %dma_wait3A_55 = arith.constant 0 : i32
        %dma_wait3A_56 = tpu.memref_slice %arg3[%add3A_37, %dma_wait3A_55] : memref<800000x3xf32, #tpu.memory_space<hbm>> -> memref<320x3xf32, #tpu.memory_space<hbm>>
        %dma_wait3A_57 = arith.constant 0 : i32
        %dma_wait3A_58 = arith.constant 0 : i32
        %dma_wait3A_59 = tpu.memref_slice %arg8[%dma_wait3A_57, %dma_wait3A_58] : memref<320x3xf32, #tpu.memory_space<vmem>> -> memref<320x3xf32, #tpu.memory_space<vmem>>
        %dma_wait3A_60 = arith.constant 0 : i32
        %dma_wait3A_61 = tpu.memref_slice %arg3[%add3A_37, %dma_wait3A_60] : memref<800000x3xf32, #tpu.memory_space<hbm>> -> memref<320x3xf32, #tpu.memory_space<hbm>>
        tpu.wait_dma2 semaphore(%run_scoped3A : memref<!tpu.dma_semaphore, #tpu.memory_space<semaphore_mem>>) src(%dma_wait3A_61 : memref<320x3xf32, #tpu.memory_space<hbm>>) dst(%dma_wait3A_59 : memref<320x3xf32, #tpu.memory_space<vmem>>)
        tpu.yield
      }) : () -> ()
      "tpu.region"() ({
        %run_scoped3A = tpu.sem_alloc : memref<!tpu.dma_semaphore, #tpu.memory_space<semaphore_mem>>
        %dma_start3A = arith.constant 0 : i32
        %dma_start3A_44 = tpu.memref_slice %arg10[%dma_start3A] : memref<320xi32, #tpu.memory_space<vmem>> -> memref<320xi32, #tpu.memory_space<vmem>>
        %dma_start3A_45 = tpu.memref_slice %arg4[%add3A_37] : memref<800000xi32, #tpu.memory_space<hbm>> -> memref<320xi32, #tpu.memory_space<hbm>>
        %dma_start3A_46 = arith.constant 0 : i32
        %dma_start3A_47 = tpu.memref_slice %arg10[%dma_start3A_46] : memref<320xi32, #tpu.memory_space<vmem>> -> memref<320xi32, #tpu.memory_space<vmem>>
        %dma_start3A_48 = tpu.memref_slice %arg4[%add3A_37] : memref<800000xi32, #tpu.memory_space<hbm>> -> memref<320xi32, #tpu.memory_space<hbm>>
        tpu.enqueue_dma source(%dma_start3A_48 : memref<320xi32, #tpu.memory_space<hbm>>) target(%dma_start3A_47 : memref<320xi32, #tpu.memory_space<vmem>>) target_semaphore(%run_scoped3A : memref<!tpu.dma_semaphore, #tpu.memory_space<semaphore_mem>>)
        %dma_wait3A = arith.constant 0 : i32
        %dma_wait3A_49 = tpu.memref_slice %arg10[%dma_wait3A] : memref<320xi32, #tpu.memory_space<vmem>> -> memref<320xi32, #tpu.memory_space<vmem>>
        %dma_wait3A_50 = tpu.memref_slice %arg4[%add3A_37] : memref<800000xi32, #tpu.memory_space<hbm>> -> memref<320xi32, #tpu.memory_space<hbm>>
        %dma_wait3A_51 = arith.constant 0 : i32
        %dma_wait3A_52 = tpu.memref_slice %arg10[%dma_wait3A_51] : memref<320xi32, #tpu.memory_space<vmem>> -> memref<320xi32, #tpu.memory_space<vmem>>
        %dma_wait3A_53 = tpu.memref_slice %arg4[%add3A_37] : memref<800000xi32, #tpu.memory_space<hbm>> -> memref<320xi32, #tpu.memory_space<hbm>>
        tpu.wait_dma2 semaphore(%run_scoped3A : memref<!tpu.dma_semaphore, #tpu.memory_space<semaphore_mem>>) src(%dma_wait3A_53 : memref<320xi32, #tpu.memory_space<hbm>>) dst(%dma_wait3A_52 : memref<320xi32, #tpu.memory_space<vmem>>)
        tpu.yield
      }) : () -> ()
      %scan3A_38 = arith.constant 0 : i32
      %scan3A_39 = arith.constant 0 : i32
      %scan3A_40 = arith.constant 20 : i32
      %scan3A_41 = arith.addi %scan3A_39, %scan3A_40 : i32
      %scan3A_42 = arith.constant 1 : i32
      scf.for %scan3A_44 = %scan3A_39 to %scan3A_41 step %scan3A_42  : i32 {
        %mul3A_45 = arith.constant 16 : i32
        %mul3A_46 = arith.muli %scan3A_44, %mul3A_45 : i32
        %add3A_47 = vector.broadcast %mul3A_46 : i32 to vector<16xi32>
        %add3A_48 = arith.addi %iota3A, %add3A_47 : vector<16xi32>
        %gather3A = tpu.vector_load_idx %arg7[%add3A_48, %mul3A_9] : memref<320x3xf32, #tpu.memory_space<vmem>>[vector<16xi32>, vector<16xi32>], vector<16xf32>,
        %gather3A_49 = tpu.vector_load_idx %arg7[%add3A_48, %add3A_12] : memref<320x3xf32, #tpu.memory_space<vmem>>[vector<16xi32>, vector<16xi32>], vector<16xf32>,
        %gather3A_50 = tpu.vector_load_idx %arg7[%add3A_48, %add3A_15] : memref<320x3xf32, #tpu.memory_space<vmem>>[vector<16xi32>, vector<16xi32>], vector<16xf32>,
        %gather3A_51 = tpu.vector_load_idx %arg8[%add3A_48, %mul3A_9] : memref<320x3xf32, #tpu.memory_space<vmem>>[vector<16xi32>, vector<16xi32>], vector<16xf32>,
        %gather3A_52 = tpu.vector_load_idx %arg8[%add3A_48, %add3A_12] : memref<320x3xf32, #tpu.memory_space<vmem>>[vector<16xi32>, vector<16xi32>], vector<16xf32>,
        %gather3A_53 = tpu.vector_load_idx %arg8[%add3A_48, %add3A_15] : memref<320x3xf32, #tpu.memory_space<vmem>>[vector<16xi32>, vector<16xi32>], vector<16xf32>,
        %sub3A = arith.subf %gather3A, %gather3A_51 : vector<16xf32>
        %sub3A_54 = arith.subf %gather3A_49, %gather3A_52 : vector<16xf32>
        %sub3A_55 = arith.subf %gather3A_50, %gather3A_53 : vector<16xf32>
        %mul3A_56 = arith.mulf %sub3A, %sub3A : vector<16xf32>
        %sub3A_57 = arith.constant 1.000000e+00 : f32
        %sub3A_58 = vector.broadcast %sub3A_57 : f32 to vector<16xf32>
        %sub3A_59 = arith.subf %mul3A_56, %sub3A_58 : vector<16xf32>
        %mul3A_60 = arith.constant -4.000000e+00 : f32
        %mul3A_61 = vector.broadcast %mul3A_60 : f32 to vector<16xf32>
        %mul3A_62 = arith.mulf %sub3A_59, %mul3A_61 : vector<16xf32>
        %mul3A_63 = arith.mulf %sub3A, %mul3A_62 : vector<16xf32>
        tpu.vector_store_idx %arg9[%add3A_48, %mul3A_9], %mul3A_63 : memref<320x3xf32, #tpu.memory_space<vmem>>[vector<16xi32>, vector<16xi32>], vector<16xf32>,
        %neg3A = arith.constant 0.000000e+00 : f32
        %neg3A_64 = vector.broadcast %neg3A : f32 to vector<16xf32>
        %neg3A_65 = arith.subf %neg3A_64, %sub3A_54 : vector<16xf32>
        tpu.vector_store_idx %arg9[%add3A_48, %add3A_12], %neg3A_65 : memref<320x3xf32, #tpu.memory_space<vmem>>[vector<16xi32>, vector<16xi32>], vector<16xf32>,
        %neg3A_66 = arith.constant 0.000000e+00 : f32
        %neg3A_67 = vector.broadcast %neg3A_66 : f32 to vector<16xf32>
        %neg3A_68 = arith.subf %neg3A_67, %sub3A_55 : vector<16xf32>
        tpu.vector_store_idx %arg9[%add3A_48, %add3A_15], %neg3A_68 : memref<320x3xf32, #tpu.memory_space<vmem>>[vector<16xi32>, vector<16xi32>], vector<16xf32>,
        %mul3A_69 = arith.mulf %sub3A_59, %sub3A_59 : vector<16xf32>
        %mul3A_70 = arith.mulf %sub3A_54, %sub3A_54 : vector<16xf32>
        %mul3A_71 = arith.mulf %sub3A_55, %sub3A_55 : vector<16xf32>
        %add3A_72 = arith.addf %mul3A_70, %mul3A_71 : vector<16xf32>
        %mul3A_73 = arith.constant 5.000000e-01 : f32
        %mul3A_74 = vector.broadcast %mul3A_73 : f32 to vector<16xf32>
        %mul3A_75 = arith.mulf %mul3A_74, %add3A_72 : vector<16xf32>
        %add3A_76 = arith.addf %mul3A_69, %mul3A_75 : vector<16xf32>
        %mul3A_77 = arith.constant 16 : i32
        %mul3A_78 = arith.muli %scan3A_44, %mul3A_77 : i32
        %get3A = arith.index_cast %mul3A_78 : i32 to index
        %get3A_79 = tpu.vector_load %arg10[%get3A] {strides = array<i32>} : memref<320xi32, #tpu.memory_space<vmem>>, vector<16xi32>,
        tpu.vector_store_idx %arg11[%get3A_79], %add3A_76 {add = true} : memref<4096xf32, #tpu.memory_space<vmem>>[vector<16xi32>], vector<16xf32>,
      }
      %scan3A_43 = arith.constant 20 : i32
      "tpu.region"() ({
        %run_scoped3A = tpu.sem_alloc : memref<!tpu.dma_semaphore, #tpu.memory_space<semaphore_mem>>
        %dma_start3A = arith.constant 0 : i32
        %dma_start3A_44 = arith.constant 0 : i32
        %dma_start3A_45 = tpu.memref_slice %arg9[%dma_start3A, %dma_start3A_44] : memref<320x3xf32, #tpu.memory_space<vmem>> -> memref<320x3xf32, #tpu.memory_space<vmem>>
        %dma_start3A_46 = arith.constant 0 : i32
        %dma_start3A_47 = tpu.memref_slice %arg5[%add3A_37, %dma_start3A_46] : memref<800000x3xf32, #tpu.memory_space<hbm>> -> memref<320x3xf32, #tpu.memory_space<hbm>>
        %dma_start3A_48 = arith.constant 0 : i32
        %dma_start3A_49 = tpu.memref_slice %arg5[%add3A_37, %dma_start3A_48] : memref<800000x3xf32, #tpu.memory_space<hbm>> -> memref<320x3xf32, #tpu.memory_space<hbm>>
        %dma_start3A_50 = arith.constant 0 : i32
        %dma_start3A_51 = arith.constant 0 : i32
        %dma_start3A_52 = tpu.memref_slice %arg9[%dma_start3A_50, %dma_start3A_51] : memref<320x3xf32, #tpu.memory_space<vmem>> -> memref<320x3xf32, #tpu.memory_space<vmem>>
        tpu.enqueue_dma source(%dma_start3A_52 : memref<320x3xf32, #tpu.memory_space<vmem>>) target(%dma_start3A_49 : memref<320x3xf32, #tpu.memory_space<hbm>>) target_semaphore(%run_scoped3A : memref<!tpu.dma_semaphore, #tpu.memory_space<semaphore_mem>>)
        %dma_wait3A = arith.constant 0 : i32
        %dma_wait3A_53 = arith.constant 0 : i32
        %dma_wait3A_54 = tpu.memref_slice %arg9[%dma_wait3A, %dma_wait3A_53] : memref<320x3xf32, #tpu.memory_space<vmem>> -> memref<320x3xf32, #tpu.memory_space<vmem>>
        %dma_wait3A_55 = arith.constant 0 : i32
        %dma_wait3A_56 = tpu.memref_slice %arg5[%add3A_37, %dma_wait3A_55] : memref<800000x3xf32, #tpu.memory_space<hbm>> -> memref<320x3xf32, #tpu.memory_space<hbm>>
        %dma_wait3A_57 = arith.constant 0 : i32
        %dma_wait3A_58 = tpu.memref_slice %arg5[%add3A_37, %dma_wait3A_57] : memref<800000x3xf32, #tpu.memory_space<hbm>> -> memref<320x3xf32, #tpu.memory_space<hbm>>
        %dma_wait3A_59 = arith.constant 0 : i32
        %dma_wait3A_60 = arith.constant 0 : i32
        %dma_wait3A_61 = tpu.memref_slice %arg9[%dma_wait3A_59, %dma_wait3A_60] : memref<320x3xf32, #tpu.memory_space<vmem>> -> memref<320x3xf32, #tpu.memory_space<vmem>>
        tpu.wait_dma2 semaphore(%run_scoped3A : memref<!tpu.dma_semaphore, #tpu.memory_space<semaphore_mem>>) src(%dma_wait3A_61 : memref<320x3xf32, #tpu.memory_space<vmem>>) dst(%dma_wait3A_58 : memref<320x3xf32, #tpu.memory_space<hbm>>)
        tpu.yield
      }) : () -> ()
    }
    %scan3A_23 = arith.constant 78 : i32
    %add3A_24 = arith.constant 24960 : i32
    %add3A_25 = arith.addi %mul3A_17, %add3A_24 : i32
    "tpu.region"() ({
      %run_scoped3A = tpu.sem_alloc : memref<!tpu.dma_semaphore, #tpu.memory_space<semaphore_mem>>
      %dma_start3A = arith.constant 0 : i32
      %dma_start3A_34 = arith.constant 0 : i32
      %dma_start3A_35 = tpu.memref_slice %arg7[%dma_start3A, %dma_start3A_34] : memref<320x3xf32, #tpu.memory_space<vmem>> -> memref<32x3xf32, #tpu.memory_space<vmem>>
      %dma_start3A_36 = arith.constant 0 : i32
      %dma_start3A_37 = tpu.memref_slice %arg2[%add3A_25, %dma_start3A_36] : memref<800000x3xf32, #tpu.memory_space<hbm>> -> memref<32x3xf32, #tpu.memory_space<hbm>>
      %dma_start3A_38 = arith.constant 0 : i32
      %dma_start3A_39 = arith.constant 0 : i32
      %dma_start3A_40 = tpu.memref_slice %arg7[%dma_start3A_38, %dma_start3A_39] : memref<320x3xf32, #tpu.memory_space<vmem>> -> memref<32x3xf32, #tpu.memory_space<vmem>>
      %dma_start3A_41 = arith.constant 0 : i32
      %dma_start3A_42 = tpu.memref_slice %arg2[%add3A_25, %dma_start3A_41] : memref<800000x3xf32, #tpu.memory_space<hbm>> -> memref<32x3xf32, #tpu.memory_space<hbm>>
      tpu.enqueue_dma source(%dma_start3A_42 : memref<32x3xf32, #tpu.memory_space<hbm>>) target(%dma_start3A_40 : memref<32x3xf32, #tpu.memory_space<vmem>>) target_semaphore(%run_scoped3A : memref<!tpu.dma_semaphore, #tpu.memory_space<semaphore_mem>>)
      %dma_wait3A = arith.constant 0 : i32
      %dma_wait3A_43 = arith.constant 0 : i32
      %dma_wait3A_44 = tpu.memref_slice %arg7[%dma_wait3A, %dma_wait3A_43] : memref<320x3xf32, #tpu.memory_space<vmem>> -> memref<32x3xf32, #tpu.memory_space<vmem>>
      %dma_wait3A_45 = arith.constant 0 : i32
      %dma_wait3A_46 = tpu.memref_slice %arg2[%add3A_25, %dma_wait3A_45] : memref<800000x3xf32, #tpu.memory_space<hbm>> -> memref<32x3xf32, #tpu.memory_space<hbm>>
      %dma_wait3A_47 = arith.constant 0 : i32
      %dma_wait3A_48 = arith.constant 0 : i32
      %dma_wait3A_49 = tpu.memref_slice %arg7[%dma_wait3A_47, %dma_wait3A_48] : memref<320x3xf32, #tpu.memory_space<vmem>> -> memref<32x3xf32, #tpu.memory_space<vmem>>
      %dma_wait3A_50 = arith.constant 0 : i32
      %dma_wait3A_51 = tpu.memref_slice %arg2[%add3A_25, %dma_wait3A_50] : memref<800000x3xf32, #tpu.memory_space<hbm>> -> memref<32x3xf32, #tpu.memory_space<hbm>>
      tpu.wait_dma2 semaphore(%run_scoped3A : memref<!tpu.dma_semaphore, #tpu.memory_space<semaphore_mem>>) src(%dma_wait3A_51 : memref<32x3xf32, #tpu.memory_space<hbm>>) dst(%dma_wait3A_49 : memref<32x3xf32, #tpu.memory_space<vmem>>)
      tpu.yield
    }) : () -> ()
    "tpu.region"() ({
      %run_scoped3A = tpu.sem_alloc : memref<!tpu.dma_semaphore, #tpu.memory_space<semaphore_mem>>
      %dma_start3A = arith.constant 0 : i32
      %dma_start3A_34 = arith.constant 0 : i32
      %dma_start3A_35 = tpu.memref_slice %arg8[%dma_start3A, %dma_start3A_34] : memref<320x3xf32, #tpu.memory_space<vmem>> -> memref<32x3xf32, #tpu.memory_space<vmem>>
      %dma_start3A_36 = arith.constant 0 : i32
      %dma_start3A_37 = tpu.memref_slice %arg3[%add3A_25, %dma_start3A_36] : memref<800000x3xf32, #tpu.memory_space<hbm>> -> memref<32x3xf32, #tpu.memory_space<hbm>>
      %dma_start3A_38 = arith.constant 0 : i32
      %dma_start3A_39 = arith.constant 0 : i32
      %dma_start3A_40 = tpu.memref_slice %arg8[%dma_start3A_38, %dma_start3A_39] : memref<320x3xf32, #tpu.memory_space<vmem>> -> memref<32x3xf32, #tpu.memory_space<vmem>>
      %dma_start3A_41 = arith.constant 0 : i32
      %dma_start3A_42 = tpu.memref_slice %arg3[%add3A_25, %dma_start3A_41] : memref<800000x3xf32, #tpu.memory_space<hbm>> -> memref<32x3xf32, #tpu.memory_space<hbm>>
      tpu.enqueue_dma source(%dma_start3A_42 : memref<32x3xf32, #tpu.memory_space<hbm>>) target(%dma_start3A_40 : memref<32x3xf32, #tpu.memory_space<vmem>>) target_semaphore(%run_scoped3A : memref<!tpu.dma_semaphore, #tpu.memory_space<semaphore_mem>>)
      %dma_wait3A = arith.constant 0 : i32
      %dma_wait3A_43 = arith.constant 0 : i32
      %dma_wait3A_44 = tpu.memref_slice %arg8[%dma_wait3A, %dma_wait3A_43] : memref<320x3xf32, #tpu.memory_space<vmem>> -> memref<32x3xf32, #tpu.memory_space<vmem>>
      %dma_wait3A_45 = arith.constant 0 : i32
      %dma_wait3A_46 = tpu.memref_slice %arg3[%add3A_25, %dma_wait3A_45] : memref<800000x3xf32, #tpu.memory_space<hbm>> -> memref<32x3xf32, #tpu.memory_space<hbm>>
      %dma_wait3A_47 = arith.constant 0 : i32
      %dma_wait3A_48 = arith.constant 0 : i32
      %dma_wait3A_49 = tpu.memref_slice %arg8[%dma_wait3A_47, %dma_wait3A_48] : memref<320x3xf32, #tpu.memory_space<vmem>> -> memref<32x3xf32, #tpu.memory_space<vmem>>
      %dma_wait3A_50 = arith.constant 0 : i32
      %dma_wait3A_51 = tpu.memref_slice %arg3[%add3A_25, %dma_wait3A_50] : memref<800000x3xf32, #tpu.memory_space<hbm>> -> memref<32x3xf32, #tpu.memory_space<hbm>>
      tpu.wait_dma2 semaphore(%run_scoped3A : memref<!tpu.dma_semaphore, #tpu.memory_space<semaphore_mem>>) src(%dma_wait3A_51 : memref<32x3xf32, #tpu.memory_space<hbm>>) dst(%dma_wait3A_49 : memref<32x3xf32, #tpu.memory_space<vmem>>)
      tpu.yield
    }) : () -> ()
    "tpu.region"() ({
      %run_scoped3A = tpu.sem_alloc : memref<!tpu.dma_semaphore, #tpu.memory_space<semaphore_mem>>
      %dma_start3A = arith.constant 0 : i32
      %dma_start3A_34 = tpu.memref_slice %arg10[%dma_start3A] : memref<320xi32, #tpu.memory_space<vmem>> -> memref<32xi32, #tpu.memory_space<vmem>>
      %dma_start3A_35 = tpu.memref_slice %arg4[%add3A_25] : memref<800000xi32, #tpu.memory_space<hbm>> -> memref<32xi32, #tpu.memory_space<hbm>>
      %dma_start3A_36 = arith.constant 0 : i32
      %dma_start3A_37 = tpu.memref_slice %arg10[%dma_start3A_36] : memref<320xi32, #tpu.memory_space<vmem>> -> memref<32xi32, #tpu.memory_space<vmem>>
      %dma_start3A_38 = tpu.memref_slice %arg4[%add3A_25] : memref<800000xi32, #tpu.memory_space<hbm>> -> memref<32xi32, #tpu.memory_space<hbm>>
      tpu.enqueue_dma source(%dma_start3A_38 : memref<32xi32, #tpu.memory_space<hbm>>) target(%dma_start3A_37 : memref<32xi32, #tpu.memory_space<vmem>>) target_semaphore(%run_scoped3A : memref<!tpu.dma_semaphore, #tpu.memory_space<semaphore_mem>>)
      %dma_wait3A = arith.constant 0 : i32
      %dma_wait3A_39 = tpu.memref_slice %arg10[%dma_wait3A] : memref<320xi32, #tpu.memory_space<vmem>> -> memref<32xi32, #tpu.memory_space<vmem>>
      %dma_wait3A_40 = tpu.memref_slice %arg4[%add3A_25] : memref<800000xi32, #tpu.memory_space<hbm>> -> memref<32xi32, #tpu.memory_space<hbm>>
      %dma_wait3A_41 = arith.constant 0 : i32
      %dma_wait3A_42 = tpu.memref_slice %arg10[%dma_wait3A_41] : memref<320xi32, #tpu.memory_space<vmem>> -> memref<32xi32, #tpu.memory_space<vmem>>
      %dma_wait3A_43 = tpu.memref_slice %arg4[%add3A_25] : memref<800000xi32, #tpu.memory_space<hbm>> -> memref<32xi32, #tpu.memory_space<hbm>>
      tpu.wait_dma2 semaphore(%run_scoped3A : memref<!tpu.dma_semaphore, #tpu.memory_space<semaphore_mem>>) src(%dma_wait3A_43 : memref<32xi32, #tpu.memory_space<hbm>>) dst(%dma_wait3A_42 : memref<32xi32, #tpu.memory_space<vmem>>)
      tpu.yield
    }) : () -> ()
    %scan3A_26 = arith.constant 0 : i32
    %scan3A_27 = arith.constant 0 : i32
    %scan3A_28 = arith.constant 2 : i32
    %scan3A_29 = arith.addi %scan3A_27, %scan3A_28 : i32
    %scan3A_30 = arith.constant 1 : i32
    scf.for %scan3A_34 = %scan3A_27 to %scan3A_29 step %scan3A_30  : i32 {
      %mul3A_35 = arith.constant 16 : i32
      %mul3A_36 = arith.muli %scan3A_34, %mul3A_35 : i32
      %add3A_37 = vector.broadcast %mul3A_36 : i32 to vector<16xi32>
      %add3A_38 = arith.addi %iota3A, %add3A_37 : vector<16xi32>
      %gather3A = tpu.vector_load_idx %arg7[%add3A_38, %mul3A_9] : memref<320x3xf32, #tpu.memory_space<vmem>>[vector<16xi32>, vector<16xi32>], vector<16xf32>,
      %gather3A_39 = tpu.vector_load_idx %arg7[%add3A_38, %add3A_12] : memref<320x3xf32, #tpu.memory_space<vmem>>[vector<16xi32>, vector<16xi32>], vector<16xf32>,
      %gather3A_40 = tpu.vector_load_idx %arg7[%add3A_38, %add3A_15] : memref<320x3xf32, #tpu.memory_space<vmem>>[vector<16xi32>, vector<16xi32>], vector<16xf32>,
      %gather3A_41 = tpu.vector_load_idx %arg8[%add3A_38, %mul3A_9] : memref<320x3xf32, #tpu.memory_space<vmem>>[vector<16xi32>, vector<16xi32>], vector<16xf32>,
      %gather3A_42 = tpu.vector_load_idx %arg8[%add3A_38, %add3A_12] : memref<320x3xf32, #tpu.memory_space<vmem>>[vector<16xi32>, vector<16xi32>], vector<16xf32>,
      %gather3A_43 = tpu.vector_load_idx %arg8[%add3A_38, %add3A_15] : memref<320x3xf32, #tpu.memory_space<vmem>>[vector<16xi32>, vector<16xi32>], vector<16xf32>,
      %sub3A = arith.subf %gather3A, %gather3A_41 : vector<16xf32>
      %sub3A_44 = arith.subf %gather3A_39, %gather3A_42 : vector<16xf32>
      %sub3A_45 = arith.subf %gather3A_40, %gather3A_43 : vector<16xf32>
      %mul3A_46 = arith.mulf %sub3A, %sub3A : vector<16xf32>
      %sub3A_47 = arith.constant 1.000000e+00 : f32
      %sub3A_48 = vector.broadcast %sub3A_47 : f32 to vector<16xf32>
      %sub3A_49 = arith.subf %mul3A_46, %sub3A_48 : vector<16xf32>
      %mul3A_50 = arith.constant -4.000000e+00 : f32
      %mul3A_51 = vector.broadcast %mul3A_50 : f32 to vector<16xf32>
      %mul3A_52 = arith.mulf %sub3A_49, %mul3A_51 : vector<16xf32>
      %mul3A_53 = arith.mulf %sub3A, %mul3A_52 : vector<16xf32>
      tpu.vector_store_idx %arg9[%add3A_38, %mul3A_9], %mul3A_53 : memref<320x3xf32, #tpu.memory_space<vmem>>[vector<16xi32>, vector<16xi32>], vector<16xf32>,
      %neg3A = arith.constant 0.000000e+00 : f32
      %neg3A_54 = vector.broadcast %neg3A : f32 to vector<16xf32>
      %neg3A_55 = arith.subf %neg3A_54, %sub3A_44 : vector<16xf32>
      tpu.vector_store_idx %arg9[%add3A_38, %add3A_12], %neg3A_55 : memref<320x3xf32, #tpu.memory_space<vmem>>[vector<16xi32>, vector<16xi32>], vector<16xf32>,
      %neg3A_56 = arith.constant 0.000000e+00 : f32
      %neg3A_57 = vector.broadcast %neg3A_56 : f32 to vector<16xf32>
      %neg3A_58 = arith.subf %neg3A_57, %sub3A_45 : vector<16xf32>
      tpu.vector_store_idx %arg9[%add3A_38, %add3A_15], %neg3A_58 : memref<320x3xf32, #tpu.memory_space<vmem>>[vector<16xi32>, vector<16xi32>], vector<16xf32>,
      %mul3A_59 = arith.mulf %sub3A_49, %sub3A_49 : vector<16xf32>
      %mul3A_60 = arith.mulf %sub3A_44, %sub3A_44 : vector<16xf32>
      %mul3A_61 = arith.mulf %sub3A_45, %sub3A_45 : vector<16xf32>
      %add3A_62 = arith.addf %mul3A_60, %mul3A_61 : vector<16xf32>
      %mul3A_63 = arith.constant 5.000000e-01 : f32
      %mul3A_64 = vector.broadcast %mul3A_63 : f32 to vector<16xf32>
      %mul3A_65 = arith.mulf %mul3A_64, %add3A_62 : vector<16xf32>
      %add3A_66 = arith.addf %mul3A_59, %mul3A_65 : vector<16xf32>
      %mul3A_67 = arith.constant 16 : i32
      %mul3A_68 = arith.muli %scan3A_34, %mul3A_67 : i32
      %get3A = arith.index_cast %mul3A_68 : i32 to index
      %get3A_69 = tpu.vector_load %arg10[%get3A] {strides = array<i32>} : memref<320xi32, #tpu.memory_space<vmem>>, vector<16xi32>,
      tpu.vector_store_idx %arg11[%get3A_69], %add3A_66 {add = true} : memref<4096xf32, #tpu.memory_space<vmem>>[vector<16xi32>], vector<16xf32>,
    }
    %scan3A_31 = arith.constant 2 : i32
    "tpu.region"() ({
      %run_scoped3A = tpu.sem_alloc : memref<!tpu.dma_semaphore, #tpu.memory_space<semaphore_mem>>
      %dma_start3A = arith.constant 0 : i32
      %dma_start3A_34 = arith.constant 0 : i32
      %dma_start3A_35 = tpu.memref_slice %arg9[%dma_start3A, %dma_start3A_34] : memref<320x3xf32, #tpu.memory_space<vmem>> -> memref<32x3xf32, #tpu.memory_space<vmem>>
      %dma_start3A_36 = arith.constant 0 : i32
      %dma_start3A_37 = tpu.memref_slice %arg5[%add3A_25, %dma_start3A_36] : memref<800000x3xf32, #tpu.memory_space<hbm>> -> memref<32x3xf32, #tpu.memory_space<hbm>>
      %dma_start3A_38 = arith.constant 0 : i32
      %dma_start3A_39 = tpu.memref_slice %arg5[%add3A_25, %dma_start3A_38] : memref<800000x3xf32, #tpu.memory_space<hbm>> -> memref<32x3xf32, #tpu.memory_space<hbm>>
      %dma_start3A_40 = arith.constant 0 : i32
      %dma_start3A_41 = arith.constant 0 : i32
      %dma_start3A_42 = tpu.memref_slice %arg9[%dma_start3A_40, %dma_start3A_41] : memref<320x3xf32, #tpu.memory_space<vmem>> -> memref<32x3xf32, #tpu.memory_space<vmem>>
      tpu.enqueue_dma source(%dma_start3A_42 : memref<32x3xf32, #tpu.memory_space<vmem>>) target(%dma_start3A_39 : memref<32x3xf32, #tpu.memory_space<hbm>>) target_semaphore(%run_scoped3A : memref<!tpu.dma_semaphore, #tpu.memory_space<semaphore_mem>>)
      %dma_wait3A = arith.constant 0 : i32
      %dma_wait3A_43 = arith.constant 0 : i32
      %dma_wait3A_44 = tpu.memref_slice %arg9[%dma_wait3A, %dma_wait3A_43] : memref<320x3xf32, #tpu.memory_space<vmem>> -> memref<32x3xf32, #tpu.memory_space<vmem>>
      %dma_wait3A_45 = arith.constant 0 : i32
      %dma_wait3A_46 = tpu.memref_slice %arg5[%add3A_25, %dma_wait3A_45] : memref<800000x3xf32, #tpu.memory_space<hbm>> -> memref<32x3xf32, #tpu.memory_space<hbm>>
      %dma_wait3A_47 = arith.constant 0 : i32
      %dma_wait3A_48 = tpu.memref_slice %arg5[%add3A_25, %dma_wait3A_47] : memref<800000x3xf32, #tpu.memory_space<hbm>> -> memref<32x3xf32, #tpu.memory_space<hbm>>
      %dma_wait3A_49 = arith.constant 0 : i32
      %dma_wait3A_50 = arith.constant 0 : i32
      %dma_wait3A_51 = tpu.memref_slice %arg9[%dma_wait3A_49, %dma_wait3A_50] : memref<320x3xf32, #tpu.memory_space<vmem>> -> memref<32x3xf32, #tpu.memory_space<vmem>>
      tpu.wait_dma2 semaphore(%run_scoped3A : memref<!tpu.dma_semaphore, #tpu.memory_space<semaphore_mem>>) src(%dma_wait3A_51 : memref<32x3xf32, #tpu.memory_space<vmem>>) dst(%dma_wait3A_48 : memref<32x3xf32, #tpu.memory_space<hbm>>)
      tpu.yield
    }) : () -> ()
    %eq3A = arith.constant 0 : i32
    %eq3A_32 = arith.cmpi eq, %add3A, %eq3A : i32
    %convert_element_type3A = arith.extui %eq3A_32 : i1 to i32
    %cond3A = arith.constant 0 : i32
    %cond3A_33 = arith.cmpi ne, %convert_element_type3A, %cond3A : i32
    scf.if %cond3A_33 {
      %run_scoped3A = arith.constant 799744 : i32
      "tpu.region"() ({
        %run_scoped3A_43 = tpu.sem_alloc : memref<!tpu.dma_semaphore, #tpu.memory_space<semaphore_mem>>
        %dma_start3A = arith.constant 0 : i32
        %dma_start3A_44 = arith.constant 0 : i32
        %dma_start3A_45 = tpu.memref_slice %arg7[%dma_start3A, %dma_start3A_44] : memref<320x3xf32, #tpu.memory_space<vmem>> -> memref<256x3xf32, #tpu.memory_space<vmem>>
        %dma_start3A_46 = arith.constant 0 : i32
        %dma_start3A_47 = tpu.memref_slice %arg2[%run_scoped3A, %dma_start3A_46] : memref<800000x3xf32, #tpu.memory_space<hbm>> -> memref<256x3xf32, #tpu.memory_space<hbm>>
        %dma_start3A_48 = arith.constant 0 : i32
        %dma_start3A_49 = arith.constant 0 : i32
        %dma_start3A_50 = tpu.memref_slice %arg7[%dma_start3A_48, %dma_start3A_49] : memref<320x3xf32, #tpu.memory_space<vmem>> -> memref<256x3xf32, #tpu.memory_space<vmem>>
        %dma_start3A_51 = arith.constant 0 : i32
        %dma_start3A_52 = tpu.memref_slice %arg2[%run_scoped3A, %dma_start3A_51] : memref<800000x3xf32, #tpu.memory_space<hbm>> -> memref<256x3xf32, #tpu.memory_space<hbm>>
        tpu.enqueue_dma source(%dma_start3A_52 : memref<256x3xf32, #tpu.memory_space<hbm>>) target(%dma_start3A_50 : memref<256x3xf32, #tpu.memory_space<vmem>>) target_semaphore(%run_scoped3A_43 : memref<!tpu.dma_semaphore, #tpu.memory_space<semaphore_mem>>)
        %dma_wait3A = arith.constant 0 : i32
        %dma_wait3A_53 = arith.constant 0 : i32
        %dma_wait3A_54 = tpu.memref_slice %arg7[%dma_wait3A, %dma_wait3A_53] : memref<320x3xf32, #tpu.memory_space<vmem>> -> memref<256x3xf32, #tpu.memory_space<vmem>>
        %dma_wait3A_55 = arith.constant 0 : i32
        %dma_wait3A_56 = tpu.memref_slice %arg2[%run_scoped3A, %dma_wait3A_55] : memref<800000x3xf32, #tpu.memory_space<hbm>> -> memref<256x3xf32, #tpu.memory_space<hbm>>
        %dma_wait3A_57 = arith.constant 0 : i32
        %dma_wait3A_58 = arith.constant 0 : i32
        %dma_wait3A_59 = tpu.memref_slice %arg7[%dma_wait3A_57, %dma_wait3A_58] : memref<320x3xf32, #tpu.memory_space<vmem>> -> memref<256x3xf32, #tpu.memory_space<vmem>>
        %dma_wait3A_60 = arith.constant 0 : i32
        %dma_wait3A_61 = tpu.memref_slice %arg2[%run_scoped3A, %dma_wait3A_60] : memref<800000x3xf32, #tpu.memory_space<hbm>> -> memref<256x3xf32, #tpu.memory_space<hbm>>
        tpu.wait_dma2 semaphore(%run_scoped3A_43 : memref<!tpu.dma_semaphore, #tpu.memory_space<semaphore_mem>>) src(%dma_wait3A_61 : memref<256x3xf32, #tpu.memory_space<hbm>>) dst(%dma_wait3A_59 : memref<256x3xf32, #tpu.memory_space<vmem>>)
        tpu.yield
      }) : () -> ()
      %run_scoped3A_34 = arith.constant 799744 : i32
      "tpu.region"() ({
        %run_scoped3A_43 = tpu.sem_alloc : memref<!tpu.dma_semaphore, #tpu.memory_space<semaphore_mem>>
        %dma_start3A = arith.constant 0 : i32
        %dma_start3A_44 = arith.constant 0 : i32
        %dma_start3A_45 = tpu.memref_slice %arg8[%dma_start3A, %dma_start3A_44] : memref<320x3xf32, #tpu.memory_space<vmem>> -> memref<256x3xf32, #tpu.memory_space<vmem>>
        %dma_start3A_46 = arith.constant 0 : i32
        %dma_start3A_47 = tpu.memref_slice %arg3[%run_scoped3A_34, %dma_start3A_46] : memref<800000x3xf32, #tpu.memory_space<hbm>> -> memref<256x3xf32, #tpu.memory_space<hbm>>
        %dma_start3A_48 = arith.constant 0 : i32
        %dma_start3A_49 = arith.constant 0 : i32
        %dma_start3A_50 = tpu.memref_slice %arg8[%dma_start3A_48, %dma_start3A_49] : memref<320x3xf32, #tpu.memory_space<vmem>> -> memref<256x3xf32, #tpu.memory_space<vmem>>
        %dma_start3A_51 = arith.constant 0 : i32
        %dma_start3A_52 = tpu.memref_slice %arg3[%run_scoped3A_34, %dma_start3A_51] : memref<800000x3xf32, #tpu.memory_space<hbm>> -> memref<256x3xf32, #tpu.memory_space<hbm>>
        tpu.enqueue_dma source(%dma_start3A_52 : memref<256x3xf32, #tpu.memory_space<hbm>>) target(%dma_start3A_50 : memref<256x3xf32, #tpu.memory_space<vmem>>) target_semaphore(%run_scoped3A_43 : memref<!tpu.dma_semaphore, #tpu.memory_space<semaphore_mem>>)
        %dma_wait3A = arith.constant 0 : i32
        %dma_wait3A_53 = arith.constant 0 : i32
        %dma_wait3A_54 = tpu.memref_slice %arg8[%dma_wait3A, %dma_wait3A_53] : memref<320x3xf32, #tpu.memory_space<vmem>> -> memref<256x3xf32, #tpu.memory_space<vmem>>
        %dma_wait3A_55 = arith.constant 0 : i32
        %dma_wait3A_56 = tpu.memref_slice %arg3[%run_scoped3A_34, %dma_wait3A_55] : memref<800000x3xf32, #tpu.memory_space<hbm>> -> memref<256x3xf32, #tpu.memory_space<hbm>>
        %dma_wait3A_57 = arith.constant 0 : i32
        %dma_wait3A_58 = arith.constant 0 : i32
        %dma_wait3A_59 = tpu.memref_slice %arg8[%dma_wait3A_57, %dma_wait3A_58] : memref<320x3xf32, #tpu.memory_space<vmem>> -> memref<256x3xf32, #tpu.memory_space<vmem>>
        %dma_wait3A_60 = arith.constant 0 : i32
        %dma_wait3A_61 = tpu.memref_slice %arg3[%run_scoped3A_34, %dma_wait3A_60] : memref<800000x3xf32, #tpu.memory_space<hbm>> -> memref<256x3xf32, #tpu.memory_space<hbm>>
        tpu.wait_dma2 semaphore(%run_scoped3A_43 : memref<!tpu.dma_semaphore, #tpu.memory_space<semaphore_mem>>) src(%dma_wait3A_61 : memref<256x3xf32, #tpu.memory_space<hbm>>) dst(%dma_wait3A_59 : memref<256x3xf32, #tpu.memory_space<vmem>>)
        tpu.yield
      }) : () -> ()
      %run_scoped3A_35 = arith.constant 799744 : i32
      "tpu.region"() ({
        %run_scoped3A_43 = tpu.sem_alloc : memref<!tpu.dma_semaphore, #tpu.memory_space<semaphore_mem>>
        %dma_start3A = arith.constant 0 : i32
        %dma_start3A_44 = tpu.memref_slice %arg10[%dma_start3A] : memref<320xi32, #tpu.memory_space<vmem>> -> memref<256xi32, #tpu.memory_space<vmem>>
        %dma_start3A_45 = tpu.memref_slice %arg4[%run_scoped3A_35] : memref<800000xi32, #tpu.memory_space<hbm>> -> memref<256xi32, #tpu.memory_space<hbm>>
        %dma_start3A_46 = arith.constant 0 : i32
        %dma_start3A_47 = tpu.memref_slice %arg10[%dma_start3A_46] : memref<320xi32, #tpu.memory_space<vmem>> -> memref<256xi32, #tpu.memory_space<vmem>>
        %dma_start3A_48 = tpu.memref_slice %arg4[%run_scoped3A_35] : memref<800000xi32, #tpu.memory_space<hbm>> -> memref<256xi32, #tpu.memory_space<hbm>>
        tpu.enqueue_dma source(%dma_start3A_48 : memref<256xi32, #tpu.memory_space<hbm>>) target(%dma_start3A_47 : memref<256xi32, #tpu.memory_space<vmem>>) target_semaphore(%run_scoped3A_43 : memref<!tpu.dma_semaphore, #tpu.memory_space<semaphore_mem>>)
        %dma_wait3A = arith.constant 0 : i32
        %dma_wait3A_49 = tpu.memref_slice %arg10[%dma_wait3A] : memref<320xi32, #tpu.memory_space<vmem>> -> memref<256xi32, #tpu.memory_space<vmem>>
        %dma_wait3A_50 = tpu.memref_slice %arg4[%run_scoped3A_35] : memref<800000xi32, #tpu.memory_space<hbm>> -> memref<256xi32, #tpu.memory_space<hbm>>
        %dma_wait3A_51 = arith.constant 0 : i32
        %dma_wait3A_52 = tpu.memref_slice %arg10[%dma_wait3A_51] : memref<320xi32, #tpu.memory_space<vmem>> -> memref<256xi32, #tpu.memory_space<vmem>>
        %dma_wait3A_53 = tpu.memref_slice %arg4[%run_scoped3A_35] : memref<800000xi32, #tpu.memory_space<hbm>> -> memref<256xi32, #tpu.memory_space<hbm>>
        tpu.wait_dma2 semaphore(%run_scoped3A_43 : memref<!tpu.dma_semaphore, #tpu.memory_space<semaphore_mem>>) src(%dma_wait3A_53 : memref<256xi32, #tpu.memory_space<hbm>>) dst(%dma_wait3A_52 : memref<256xi32, #tpu.memory_space<vmem>>)
        tpu.yield
      }) : () -> ()
      %scan3A_36 = arith.constant 0 : i32
      %scan3A_37 = arith.constant 0 : i32
      %scan3A_38 = arith.constant 16 : i32
      %scan3A_39 = arith.addi %scan3A_37, %scan3A_38 : i32
      %scan3A_40 = arith.constant 1 : i32
      scf.for %scan3A_43 = %scan3A_37 to %scan3A_39 step %scan3A_40  : i32 {
        %mul3A_44 = arith.constant 16 : i32
        %mul3A_45 = arith.muli %scan3A_43, %mul3A_44 : i32
        %add3A_46 = vector.broadcast %mul3A_45 : i32 to vector<16xi32>
        %add3A_47 = arith.addi %iota3A, %add3A_46 : vector<16xi32>
        %gather3A = tpu.vector_load_idx %arg7[%add3A_47, %mul3A_9] : memref<320x3xf32, #tpu.memory_space<vmem>>[vector<16xi32>, vector<16xi32>], vector<16xf32>,
        %gather3A_48 = tpu.vector_load_idx %arg7[%add3A_47, %add3A_12] : memref<320x3xf32, #tpu.memory_space<vmem>>[vector<16xi32>, vector<16xi32>], vector<16xf32>,
        %gather3A_49 = tpu.vector_load_idx %arg7[%add3A_47, %add3A_15] : memref<320x3xf32, #tpu.memory_space<vmem>>[vector<16xi32>, vector<16xi32>], vector<16xf32>,
        %gather3A_50 = tpu.vector_load_idx %arg8[%add3A_47, %mul3A_9] : memref<320x3xf32, #tpu.memory_space<vmem>>[vector<16xi32>, vector<16xi32>], vector<16xf32>,
        %gather3A_51 = tpu.vector_load_idx %arg8[%add3A_47, %add3A_12] : memref<320x3xf32, #tpu.memory_space<vmem>>[vector<16xi32>, vector<16xi32>], vector<16xf32>,
        %gather3A_52 = tpu.vector_load_idx %arg8[%add3A_47, %add3A_15] : memref<320x3xf32, #tpu.memory_space<vmem>>[vector<16xi32>, vector<16xi32>], vector<16xf32>,
        %sub3A = arith.subf %gather3A, %gather3A_50 : vector<16xf32>
        %sub3A_53 = arith.subf %gather3A_48, %gather3A_51 : vector<16xf32>
        %sub3A_54 = arith.subf %gather3A_49, %gather3A_52 : vector<16xf32>
        %mul3A_55 = arith.mulf %sub3A, %sub3A : vector<16xf32>
        %sub3A_56 = arith.constant 1.000000e+00 : f32
        %sub3A_57 = vector.broadcast %sub3A_56 : f32 to vector<16xf32>
        %sub3A_58 = arith.subf %mul3A_55, %sub3A_57 : vector<16xf32>
        %mul3A_59 = arith.constant -4.000000e+00 : f32
        %mul3A_60 = vector.broadcast %mul3A_59 : f32 to vector<16xf32>
        %mul3A_61 = arith.mulf %sub3A_58, %mul3A_60 : vector<16xf32>
        %mul3A_62 = arith.mulf %sub3A, %mul3A_61 : vector<16xf32>
        tpu.vector_store_idx %arg9[%add3A_47, %mul3A_9], %mul3A_62 : memref<320x3xf32, #tpu.memory_space<vmem>>[vector<16xi32>, vector<16xi32>], vector<16xf32>,
        %neg3A = arith.constant 0.000000e+00 : f32
        %neg3A_63 = vector.broadcast %neg3A : f32 to vector<16xf32>
        %neg3A_64 = arith.subf %neg3A_63, %sub3A_53 : vector<16xf32>
        tpu.vector_store_idx %arg9[%add3A_47, %add3A_12], %neg3A_64 : memref<320x3xf32, #tpu.memory_space<vmem>>[vector<16xi32>, vector<16xi32>], vector<16xf32>,
        %neg3A_65 = arith.constant 0.000000e+00 : f32
        %neg3A_66 = vector.broadcast %neg3A_65 : f32 to vector<16xf32>
        %neg3A_67 = arith.subf %neg3A_66, %sub3A_54 : vector<16xf32>
        tpu.vector_store_idx %arg9[%add3A_47, %add3A_15], %neg3A_67 : memref<320x3xf32, #tpu.memory_space<vmem>>[vector<16xi32>, vector<16xi32>], vector<16xf32>,
        %mul3A_68 = arith.mulf %sub3A_58, %sub3A_58 : vector<16xf32>
        %mul3A_69 = arith.mulf %sub3A_53, %sub3A_53 : vector<16xf32>
        %mul3A_70 = arith.mulf %sub3A_54, %sub3A_54 : vector<16xf32>
        %add3A_71 = arith.addf %mul3A_69, %mul3A_70 : vector<16xf32>
        %mul3A_72 = arith.constant 5.000000e-01 : f32
        %mul3A_73 = vector.broadcast %mul3A_72 : f32 to vector<16xf32>
        %mul3A_74 = arith.mulf %mul3A_73, %add3A_71 : vector<16xf32>
        %add3A_75 = arith.addf %mul3A_68, %mul3A_74 : vector<16xf32>
        %mul3A_76 = arith.constant 16 : i32
        %mul3A_77 = arith.muli %scan3A_43, %mul3A_76 : i32
        %get3A = arith.index_cast %mul3A_77 : i32 to index
        %get3A_78 = tpu.vector_load %arg10[%get3A] {strides = array<i32>} : memref<320xi32, #tpu.memory_space<vmem>>, vector<16xi32>,
        tpu.vector_store_idx %arg11[%get3A_78], %add3A_75 {add = true} : memref<4096xf32, #tpu.memory_space<vmem>>[vector<16xi32>], vector<16xf32>,
      }
      %scan3A_41 = arith.constant 16 : i32
      %run_scoped3A_42 = arith.constant 799744 : i32
      "tpu.region"() ({
        %run_scoped3A_43 = tpu.sem_alloc : memref<!tpu.dma_semaphore, #tpu.memory_space<semaphore_mem>>
        %dma_start3A = arith.constant 0 : i32
        %dma_start3A_44 = arith.constant 0 : i32
        %dma_start3A_45 = tpu.memref_slice %arg9[%dma_start3A, %dma_start3A_44] : memref<320x3xf32, #tpu.memory_space<vmem>> -> memref<256x3xf32, #tpu.memory_space<vmem>>
        %dma_start3A_46 = arith.constant 0 : i32
        %dma_start3A_47 = tpu.memref_slice %arg5[%run_scoped3A_42, %dma_start3A_46] : memref<800000x3xf32, #tpu.memory_space<hbm>> -> memref<256x3xf32, #tpu.memory_space<hbm>>
        %dma_start3A_48 = arith.constant 0 : i32
        %dma_start3A_49 = tpu.memref_slice %arg5[%run_scoped3A_42, %dma_start3A_48] : memref<800000x3xf32, #tpu.memory_space<hbm>> -> memref<256x3xf32, #tpu.memory_space<hbm>>
        %dma_start3A_50 = arith.constant 0 : i32
        %dma_start3A_51 = arith.constant 0 : i32
        %dma_start3A_52 = tpu.memref_slice %arg9[%dma_start3A_50, %dma_start3A_51] : memref<320x3xf32, #tpu.memory_space<vmem>> -> memref<256x3xf32, #tpu.memory_space<vmem>>
        tpu.enqueue_dma source(%dma_start3A_52 : memref<256x3xf32, #tpu.memory_space<vmem>>) target(%dma_start3A_49 : memref<256x3xf32, #tpu.memory_space<hbm>>) target_semaphore(%run_scoped3A_43 : memref<!tpu.dma_semaphore, #tpu.memory_space<semaphore_mem>>)
        %dma_wait3A = arith.constant 0 : i32
        %dma_wait3A_53 = arith.constant 0 : i32
        %dma_wait3A_54 = tpu.memref_slice %arg9[%dma_wait3A, %dma_wait3A_53] : memref<320x3xf32, #tpu.memory_space<vmem>> -> memref<256x3xf32, #tpu.memory_space<vmem>>
        %dma_wait3A_55 = arith.constant 0 : i32
        %dma_wait3A_56 = tpu.memref_slice %arg5[%run_scoped3A_42, %dma_wait3A_55] : memref<800000x3xf32, #tpu.memory_space<hbm>> -> memref<256x3xf32, #tpu.memory_space<hbm>>
        %dma_wait3A_57 = arith.constant 0 : i32
        %dma_wait3A_58 = tpu.memref_slice %arg5[%run_scoped3A_42, %dma_wait3A_57] : memref<800000x3xf32, #tpu.memory_space<hbm>> -> memref<256x3xf32, #tpu.memory_space<hbm>>
        %dma_wait3A_59 = arith.constant 0 : i32
        %dma_wait3A_60 = arith.constant 0 : i32
        %dma_wait3A_61 = tpu.memref_slice %arg9[%dma_wait3A_59, %dma_wait3A_60] : memref<320x3xf32, #tpu.memory_space<vmem>> -> memref<256x3xf32, #tpu.memory_space<vmem>>
        tpu.wait_dma2 semaphore(%run_scoped3A_43 : memref<!tpu.dma_semaphore, #tpu.memory_space<semaphore_mem>>) src(%dma_wait3A_61 : memref<256x3xf32, #tpu.memory_space<vmem>>) dst(%dma_wait3A_58 : memref<256x3xf32, #tpu.memory_space<hbm>>)
        tpu.yield
      }) : () -> ()
    } else {
    }
    "tpu.region"() ({
      %run_scoped3A = tpu.sem_alloc : memref<!tpu.dma_semaphore, #tpu.memory_space<semaphore_mem>>
      %dma_start3A = arith.constant 0 : i32
      %dma_start3A_34 = tpu.memref_slice %arg6[%add3A, %dma_start3A] : memref<32x4096xf32, #tpu.memory_space<hbm>> -> memref<1x4096xf32, #tpu.memory_space<hbm>>
      %dma_start3A_35 = tpu.memref_squeeze %dma_start3A_34 : memref<1x4096xf32, #tpu.memory_space<hbm>> -> memref<4096xf32, #tpu.memory_space<hbm>>
      %dma_start3A_36 = arith.constant 0 : i32
      %dma_start3A_37 = tpu.memref_slice %arg6[%add3A, %dma_start3A_36] : memref<32x4096xf32, #tpu.memory_space<hbm>> -> memref<1x4096xf32, #tpu.memory_space<hbm>>
      %dma_start3A_38 = tpu.memref_squeeze %dma_start3A_37 : memref<1x4096xf32, #tpu.memory_space<hbm>> -> memref<4096xf32, #tpu.memory_space<hbm>>
      tpu.enqueue_dma source(%arg11 : memref<4096xf32, #tpu.memory_space<vmem>>) target(%dma_start3A_38 : memref<4096xf32, #tpu.memory_space<hbm>>) target_semaphore(%run_scoped3A : memref<!tpu.dma_semaphore, #tpu.memory_space<semaphore_mem>>)
      %dma_wait3A = arith.constant 0 : i32
      %dma_wait3A_39 = tpu.memref_slice %arg6[%add3A, %dma_wait3A] : memref<32x4096xf32, #tpu.memory_space<hbm>> -> memref<1x4096xf32, #tpu.memory_space<hbm>>
      %dma_wait3A_40 = tpu.memref_squeeze %dma_wait3A_39 : memref<1x4096xf32, #tpu.memory_space<hbm>> -> memref<4096xf32, #tpu.memory_space<hbm>>
      %dma_wait3A_41 = arith.constant 0 : i32
      %dma_wait3A_42 = tpu.memref_slice %arg6[%add3A, %dma_wait3A_41] : memref<32x4096xf32, #tpu.memory_space<hbm>> -> memref<1x4096xf32, #tpu.memory_space<hbm>>
      %dma_wait3A_43 = tpu.memref_squeeze %dma_wait3A_42 : memref<1x4096xf32, #tpu.memory_space<hbm>> -> memref<4096xf32, #tpu.memory_space<hbm>>
      tpu.wait_dma2 semaphore(%run_scoped3A : memref<!tpu.dma_semaphore, #tpu.memory_space<semaphore_mem>>) src(%arg11 : memref<4096xf32, #tpu.memory_space<vmem>>) dst(%dma_wait3A_43 : memref<4096xf32, #tpu.memory_space<hbm>>)
      tpu.yield
    }) : () -> ()
    return
  }
}

module attributes {stable_mosaic.version = 14 : i64} {
  func.func @_reduce_body(%arg0: memref<32x4096xf32, #tpu.memory_space<vmem>>, %arg1: memref<1x4096xf32, #tpu.memory_space<vmem>>) attributes {dimension_semantics = [], scalar_prefetch = 0 : i64, scratch_operands = 0 : i64, tpu.core_type = #tpu.core_type<tc>} {
    %get3A = arith.constant 0 : index
    %get3A_0 = arith.constant 0 : index
    %get3A_1 = vector.load %arg0[%get3A, %get3A_0] : memref<32x4096xf32, #tpu.memory_space<vmem>>, vector<32x4096xf32>
    %reduce_sum3A = arith.constant dense<0.000000e+00> : vector<4096xf32>
    %reduce_sum3A_2 = vector.multi_reduction <add>, %get3A_1, %reduce_sum3A [0] : vector<32x4096xf32> to vector<4096xf32>
    %broadcast_in_dim3A = vector.shape_cast %reduce_sum3A_2 : vector<4096xf32> to vector<1x4096xf32>
    %swap3A = arith.constant 0 : index
    %swap3A_3 = arith.constant 0 : index
    %swap3A_4 = vector.load %arg1[%swap3A, %swap3A_3] : memref<1x4096xf32, #tpu.memory_space<vmem>>, vector<1x4096xf32>
    tpu.vector_store %arg1[%swap3A, %swap3A_3], %broadcast_in_dim3A {strides = array<i32>} : memref<1x4096xf32, #tpu.memory_space<vmem>>, vector<1x4096xf32>,
    return
  }
}

</mosaic_0001>

<sc_bundles>
// kernel: kernel.4.cloned.1.call-start
scs
__scs_entry_jumppad:
0x0: {  	(pc) =	sbr.rel $0x88, $3  }
0x1: {  	(tag) =	ssettag $0x0;
	lr =	simm.s32 $0x1  }
0x2: {  	[smem:$0x3F9E] =	sst lr;
	_ =	strace $0xD0000000  }
0x3: {  	_ = 	snop  }
0x4: {  	_ = 	snop  }
0x5: {  	_ = 	snop  }
0x6: {  	_ = 	snop  }
0x7: {  	_ = 	snop  }
__scs_overlays_trampoline_lowered:
0x8: {  	[smem:$0x3FAD] =	sst s0  }
0x9: {  	[smem:$0x3FAE] =	sst s1  }
0xa: {  	[smem:$0x3FAF] =	sst s2  }
0xb: {  	[smem:$0x3FB0] =	sst s3  }
0xc: {  	[smem:$0x3FB1] =	sst s4  }
0xd: {  	[smem:$0x3FB2] =	sst s5  }
0xe: {  	[smem:$0x3FB3] =	sst s6  }
0xf: {  	[smem:$0x3FB4] =	sst s7  }
0x10: {  	[smem:$0x3FB5] =	sst s8  }
0x11: {  	[smem:$0x3FB6] =	sst s9;
	s0 =	simm.s32 @!p0 $0x0  }
0x12: {  	s1 =	sld [smem:$0x3F9C];
	s0 =	simm.s32 @p0 $0x1  }
0x13: {  	[smem:$0x3FB7] =	sst s0;
	s0 =	simm.s32 @!p1 $0x0  }
0x14: {  	s2 =	sld [smem:$0x3F9B];
	s0 =	simm.s32 @p1 $0x1  }
0x15: {  	[smem:$0x3FB8] =	sst s0;
	s0 =	simm.s32 @!p2 $0x0  }
0x16: {  	s3 =	sld [smem:$0x3FDB];
	s0 =	simm.s32 @p2 $0x1  }
0x17: {  	s4 =	simm.s32 $0x1BF5;
	[smem:$0x3FBA] =	sst s0  }
0x18: {  	s0 =	sld [smem:$0x3F9D];
	_ =	swait.ge [sflag:s4], $0x0  }
0x19: {  	s7 =	sld [smem:$0x3F9E]  }
0x1a: {  	s8 =	sadd.s32 $0xFFFFE003, lr  }
0x1b: {  	s9 =	sadd.s32 $0xFFFFFEF7, lr;
	s5 =	simm.s32 $0xFFFFFFFF;
	p2 =	slt.u32 s8, $0xFFFFF086  }
0x1c: {  	p1 =	slt.u32 s9, $0xF7A;
	s5 =	simm.s32 @!p2 $0x0  }
0x1d: {  	s5 =	simm.s32 @p1 $0x1;
	p0 =	seq.s32 s7, s2  }
0x1e: {  	s7 =	smul.u32 @!p0 $0xF7A, s2;
	p2 =	seq.s32 @!p0 s5, $0x0  }
0x1f: {  	s9 =	smul.u32 $0xF7A, s1;
	s8 =	simm.s32 @!p0 $0x1BF5;
	p2 =	por !p2, p0  }
0x20: {  	[sflag:s8] =	ssyncset.s32 @!p0 $0xFFFFF086;
	s6 =	sadd.s32 @!p0 s3, s7;
	s7 =	simm.s32 @!p0 $0x108  }
0x21: {  	s3 =	sadd.s32 s3, s9;
	s6 =	sadd.s32 @!p0 $0x88, s6;
	s7 =	simm.s32 @p2 $0x1082  }
0x22: {  	[simem:s7], [sflag:s8] =	dma.local @!p0 [hbm:s6], $0xF7A  }
0x23: {  	s9 =	sor.u32 $0xD0000000, s2;
	s6 =	simm.s32 $0x108;
	_ =	swait.ge @!p0 [sflag:s8], $0x0  }
0x24: {  	s3 =	sadd.s32 $0x88, s3;
	s6 =	simm.s32 @!p1 $0x1082;
	[sflag:s4] =	ssyncset.s32 $0xFFFFF086  }
0x25: {  	[simem:s6], [sflag:s4] =	dma.local [hbm:s3], $0xF7A  }
0x26: {  	[smem:$0x3F9E] =	sst s1;
	(tag) =	ssettag s2;
	_ =	strace s9  }
0x27: {  	s1 =	sld [smem:$0x3FAE]  }
0x28: {  	s2 =	sld [smem:$0x3FAF]  }
0x29: {  	s4 =	sld [smem:$0x3FB1]  }
0x2a: {  	p0 =	seq.s32 s5, $0x0;
	s5 =	sld [smem:$0x3FB2]  }
0x2b: {  	s6 =	sld [smem:$0x3FB3]  }
0x2c: {  	s7 =	sld [smem:$0x3FB4]  }
0x2d: {  	s3 =	simm.s32 $0x108;
	s8 =	sld [smem:$0x3FB5]  }
0x2e: {  	s3 =	simm.s32 @!p0 $0x1082;
	s9 =	sld [smem:$0x3FB6]  }
0x2f: {  	lr =	sadd.s32 s0, s3;
	s0 =	sld [smem:$0x3FAD]  }
0x30: {  	s3 =	sld [smem:$0x3FB0]  }
0x31: {  	[smem:$0x3FB9] =	sst s10  }
0x32: {  	s10 =	sld [smem:$0x3FB7];
	_ =	sdelay $0x3  }
0x33: {  	p0 =	seq.s32 s10, $0x1;
	s10 =	sld [smem:$0x3FB9];
	_ =	sdelay $0x3  }
0x34: {  	[smem:$0x3FB9] =	sst s10  }
0x35: {  	s10 =	sld [smem:$0x3FB8];
	_ =	sdelay $0x3  }
0x36: {  	p1 =	seq.s32 s10, $0x1;
	s10 =	sld [smem:$0x3FB9];
	_ =	sdelay $0x3  }
0x37: {  	[smem:$0x3FB9] =	sst s10  }
0x38: {  	s10 =	sld [smem:$0x3FBA]  }
0x39: {  	_ = 	snop;
	(pc) =	sbr.ind lr, $3  }
0x3a: {  	_ = 	snop  }
0x3b: {  	_ = 	snop  }
0x3c: {  	p2 =	seq.s32 s10, $0x1;
	s10 =	sld [smem:$0x3FB9]  }
0x3d: {  	_ =	shalt  }
0x3e: {  	_ =	shalt  }
0x3f: {  	_ =	shalt  }
0x40: {  	_ =	shalt  }
0x41: {  	_ =	shalt  }
0x42: {  	_ =	shalt  }
0x43: {  	_ =	shalt  }
0x44: {  	_ =	shalt  }
0x45: {  	_ =	shalt  }
0x46: {  	_ =	shalt  }
0x47: {  	_ =	shalt  }
0x48: {  	_ =	shalt  }
0x49: {  	_ =	shalt  }
0x4a: {  	_ =	shalt  }
0x4b: {  	_ =	shalt  }
0x4c: {  	_ =	shalt  }
0x4d: {  	_ =	shalt  }
0x4e: {  	_ =	shalt  }
0x4f: {  	_ =	shalt  }
0x50: {  	_ =	shalt  }
0x51: {  	_ =	shalt  }
0x52: {  	_ =	shalt  }
0x53: {  	_ =	shalt  }
0x54: {  	_ =	shalt  }
0x55: {  	_ =	shalt  }
0x56: {  	_ =	shalt  }
0x57: {  	_ =	shalt  }
0x58: {  	_ =	shalt  }
0x59: {  	_ =	shalt  }
0x5a: {  	_ =	shalt  }
0x5b: {  	_ =	shalt  }
0x5c: {  	_ =	shalt  }
0x5d: {  	_ =	shalt  }
0x5e: {  	_ =	shalt  }
0x5f: {  	_ =	shalt  }
0x60: {  	_ =	shalt  }
0x61: {  	_ =	shalt  }
0x62: {  	_ =	shalt  }
0x63: {  	_ =	shalt  }
0x64: {  	_ =	shalt  }
0x65: {  	_ =	shalt  }
0x66: {  	_ =	shalt  }
0x67: {  	_ =	shalt  }
0x68: {  	_ =	shalt  }
0x69: {  	_ =	shalt  }
0x6a: {  	_ =	shalt  }
0x6b: {  	_ =	shalt  }
0x6c: {  	_ =	shalt  }
0x6d: {  	_ =	shalt  }
0x6e: {  	_ =	shalt  }
0x6f: {  	_ =	shalt  }
0x70: {  	_ =	shalt  }
0x71: {  	_ =	shalt  }
0x72: {  	_ =	shalt  }
0x73: {  	_ =	shalt  }
0x74: {  	_ =	shalt  }
0x75: {  	_ =	shalt  }
0x76: {  	_ =	shalt  }
0x77: {  	_ =	shalt  }
0x78: {  	_ =	shalt  }
0x79: {  	_ =	shalt  }
0x7a: {  	_ =	shalt  }
0x7b: {  	_ =	shalt  }
0x7c: {  	_ =	shalt  }
0x7d: {  	_ =	shalt  }
0x7e: {  	_ =	shalt  }
0x7f: {  	_ =	shalt  }
0x80: {  	_ =	shalt  }
0x81: {  	_ =	shalt  }
0x82: {  	_ =	shalt  }
0x83: {  	_ =	shalt  }
0x84: {  	_ =	shalt  }
0x85: {  	_ =	shalt  }
0x86: {  	_ =	shalt  }
0x87: {  	_ =	shalt  }
.Lfunc_end0:
.L_simem_size_0:
called_computation_lowered:
.L_overlay_start_0:
0x88: {  	s2 =	sld [smem:$0x3FD9]  }
0x89: {  	s3 =	sld [smem:$0x3FFE];
	_ =	sdelay $0x1  }
0x8a: {  	s1 =	srdreg.scid  }
0x8b: {  	s0 =	sand.u32 $0x1, s1  }
0x8c: {  	s14 =	sshll.u32 s0, $0xA;
	s2 =	sadd.s32 s3, s2  }
0x8d: {  	s2 =	sadd.s32 s2, s14  }
0x8e: {  	[smem:$0x3FC5] =	sst s2  }
0x8f: {  	_ = 	snop  }
0x90: {  	s2 =	sld [smem:$0x3FD0];
	_ =	sdelay $0x2  }
0x91: {  	s4 =	simm.s32 $0xA;
	s5 =	simm.s32 $0x10;
	s15 =	sld [smem:$0x3FC7]  }
0x92: {  	[smem:s5], [sflag:s4] =	dma.local [hbm:s2], $0x1  }
0x93: {  	_ =	swait.eq [sflag:s4], $0x1  }
0x94: {  	[sflag:s4] =	ssyncset.done $0x0  }
0x95: {  	[sflag:s4] =	ssyncadd.s32 $0xFFFFFFFF  }
0x96: {  	s16 =	sld [smem:$0x11];
	(tm) =	ssettm $0x1  }
0x97: {  	s17 =	sld [smem:$0x3FFB];
	_ =	sdelay $0x3  }
0x98: {  	_ =	strace s17  }
0x99: {  	s4 =	sld [smem:$0x3FFC];
	_ =	sdelay $0x3  }
0x9a: {  	_ =	strace s4  }
0x9b: {  	s4 =	sld [smem:$0x3FFD];
	_ =	sdelay $0x3  }
0x9c: {  	_ =	strace s4  }
0x9d: {  	_ =	strace $0x8FFFFFFF  }
0x9e: {  	s18 =	sld [smem:$0x3FDB];
	_ =	sdelay $0x1  }
0x9f: {  	s19 =	simm.s32 $_scs_section_size  }
0xa0: {  	s6 =	simm.s32 $_size__tile_overlayer_lowered;
	s7 =	simm.s32 $_tile_overlayer_lowered  }
0xa1: {  	s22 =	simm.s32 $0x1BFF;
	s21 =	sshll.u32 s7, $0x1;
	s4 =	sadd.s32 s19, s18  }
0xa2: {  	s8 =	simm.s32 $0x0;
	s20 =	sshll.u32 s6, $0x1;
	s6 =	sadd.s32 s21, s4  }
0xa3: {  	[timem:s8], [sflag:s22] =	dma.local [hbm:s6], s20  }
0xa4: {  	_ =	swait.ge [sflag:s22], s20  }
0xa5: {  	s5 =	ssub.s32 $0x0, s20;
	[sflag:s22] =	ssyncset.done $0x0  }
0xa6: {  	[sflag:s22] =	ssyncadd.s32 s5;
	_ =	sdelay $0x1  }
0xa7: {  	s23 =	simm.s32 $0x1B8B  }
0xa8: {  	_ =	swait.ge [sflag:s23], $0x1  }
0xa9: {  	[sflag:s23] =	ssyncset.done $0x0  }
0xaa: {  	s25 =	simm.s32 $0x1B8E;
	s24 =	sld [smem:$0x3FFE];
	[sflag:s23] =	ssyncadd.s32 $0xFFFFFFFF  }
0xab: {  	s26 =	simm.s32 $execute0_lowered;
	[smem:$0x3FD2] =	sst s25  }
0xac: {  	s6 =	sshll.u32 s26, $0x1;
	_ =	strace $0x80000046;
	[dreg:$0x1] =	wrdreg $0xFFFFFFFF  }
0xad: {  	s28 =	simm.s32 $_size_execute0_lowered;
	s4 =	sadd.s32 s4, s6;
	[dreg:$0x0] =	wrdreg $0x0  }
0xae: {  	s6 =	sshll.u32 s28, $0x1;
	[dreg:$0x2] =	wrdreg s4  }
0xaf: {  	[dreg:$0x3] =	wrdreg s6  }
0xb0: {  	[dreg:$0x4] =	wrdreg $0xC0  }
0xb1: {  	_ =	task [dreg:s8], $0x5FFFF  }
0xb2: {  	[dreg:$0x1] =	wrdreg $0xFFFFFFFF  }
0xb3: {  	[dreg:$0x0] =	wrdreg $0x60  }
0xb4: {  	[dreg:$0x2] =	wrdreg s24  }
0xb5: {  	[dreg:$0x3] =	wrdreg s15  }
0xb6: {  	[dreg:$0x4] =	wrdreg s16  }
0xb7: {  	[dreg:$0x5] =	wrdreg $0x9  }
0xb8: {  	_ =	task.clear_ibuf [dreg:s8], $0x6FFFF;
	_ =	strace $0x90000046  }
0xb9: {  	s29 =	simm.s32 $0x9;
	_ =	strace $0x80000048  }
0xba: {  	_ =	swait.ge [sflag:s29], $0x1  }
0xbb: {  	[sflag:s29] =	ssyncadd.s32 $0xFFFFFFFF  }
0xbc: {  	_ =	strace $0x90000048  }
0xbd: {  	_ =	sfence  }
0xbe: {  	s30 =	sld [smem:$0x0];
	_ =	sdelay $0x2  }
0xbf: {  	s31 =	sshll.u32 s1, $0xD;
	s1 =	sshrl.u32 s1, $0x2  }
0xc0: {  	s3 =	sand.u32 $0x4000, s31;
	s1 =	sadd.s32 s1, s30  }
0xc1: {  	s0 =	sor.u32 s3, s0;
	s1 =	sshll.u32 s1, $0x11  }
0xc2: {  	s0 =	sor.u32 s1, s0  }
0xc3: {  	s0 =	sadd.s32 $0x8F2B, s0  }
0xc4: {  	[sflag:s0] =	ssyncadd.remote.s32 $0x1  }
0xc5: {  	_ =	sfence.sel $0xFFFF  }
0xc6: {  	[dreg:$0x0] =	wrdreg $0xFFFFFFFF;
	(pc) =	sbr.abs _section_cstart, $3  }
0xc7: {  	[dreg:$0x1] =	wrdreg $0xFFFFFFFF  }
0xc8: {  	_ =	task.clear_ibuf [dreg:s8], $0x2FFFF;
	_ =	strace $0x9FFFFFFF  }
0xc9: {  	(tm) =	ssettm $0x7FFFFFFF  }
tec
execute0_lowered:
.L_overlay_start_1:
0x0: {  	(tag) =	ssettag $0x1  }
0x1: {  	s15 =	rddreg [dreg:$0x0]  }
0x2: {  	s1 =	rddreg [dreg:$0x1]  }
0x3: {  	s16 =	rddreg [dreg:$0x2];
	s2 =	srdreg.scid  }
0x4: {  	s3 =	simm.s32 $0x0;
	s20 =	simm.s32 $0x14000;
	s21 =	simm.s32 $0x1E180  }
0x5: {  	s23 =	simm.s32 $0x80;
	s24 =	simm.s32 $0x400;
	s25 =	simm.s32 $0x0  }
0x6: {  	s7 =	sand.u32 $0x1, s2;
	[smem:$0x7FF] =	sst s3;
	s5 =	sadd.s32 $0xC00, s15  }
0x7: {  	s2 =	stileid.u32;
	s6 =	sadd.s32 $0xC35C00, s15;
	s12 =	sadd.s32 $0xC34C00, s15  }
0x8: {  	s13 =	sadd.s32 $0x1869C00, s15;
	s4 =	sshll.u32 s7, $0x4;
	_ =	strace $0x80000047  }
0x9: {  	s8 =	ssub.s32 $0x2, s7;
	s7 =	sadd.s32 $0x186AC00, s15;
	s14 =	sshll.u32 s2, $0x4  }
0xa: {  	s15 =	sadd.s32 $0x249EC00, s15;
	s22 =	sor.u32 s2, s4;
	s9 =	sshrl.u32 s8, $0x1  }
0xb: {  	s19 =	sand.u32 $0x70, s14;
	s14 =	sadd.s32 $0x18680, s1;
	s4 =	smul.u32 $0x61A0, s22  }
0xc: {  	s17 =	ssub.s32 s8, s9;
	s18 =	sshll.u32 s22, $0x9;
	s16 =	sadd.s32 s16, s19  }
.Ltmp0:
0xd: {  	v0 =	vlaneseq.u32;
	s19 =	simm.s32 $0xA000;
	p0 =	sne.s32 s22, $0x0;
	(pc) =	sbr.rel .LBB2_1-.Ltmp0, $4  }
0xe: {  	v0 =	vmul.u32 $0x80, v0;
	s22 =	simm.s32 $0x1E000;
	s18 =	sand.u32 $0x3000, s18;
	s10 =	sadd.s32 $0x6180, s4  }
0xf: {  	s17 =	smax.u32 s17, $0x1;
	s16 =	sadd.s32 s18, s16;
	s11 =	sshll.u32 s10, $0x4  }
0x10: {  	v1 =	vimm.f32 $0.0e+00;
	v2 =	vor.u32 $0x1, v0;
	v3 =	vor.u32 $0x2, v0;
	s18 =	simm.s32 $0x1;
	s10 =	sshrl.u32 s10, $0x3;
	s8 =	sadd.s32 s5, s11  }
0x11: {  	v4 =	vor.u32 $0x800, v0;
	v5 =	vor.u32 $0x801, v0;
	v6 =	vor.u32 $0x802, v0;
	s9 =	sadd.s32 s6, s11;
	s10 =	sadd.s32 s1, s10;
	s11 =	sadd.s32 s7, s11  }
.LBB2_11:
0x12: {  	s25 =	sadd.s32 $0x1, s25  }
0x13: {  	p1 =	sne.s32 s25, s17  }
.Ltmp1:
0x14: {  	_ = 	snop;
	(pc) =	sbr.rel @!p1 .LBB2_12-.Ltmp1, $4  }
0x15: {  	[hbm4b:s16+s23] =	stream.strided.scatter [tilespmem:s21], [sflag:$0x1], $0x1000, s24, s23, $0x38;
	[tilespmem:$0x1F180] =	vst v63  }
0x16: {  	_ =	swait.ge [sflag:s18], $0x1000  }
0x17: {  	[sflag:s18] =	ssyncset.done $0x0  }
0x18: {  	[sflag:s18] =	ssyncadd.s32 $0xFFFFF000  }
.LBB2_1:
0x19: {  	s26 =	simm.s32 $0x40;
	s28 =	simm.s32 $0x0  }
.LBB2_2:
0x1a: {  	p1 =	sne.s32 s26, $0x3FC0;
	[tilespmem:s28+$0x1E180] =	vst v1;
	s28 =	smov.u32 s26;
	s26 =	sadd.s32 $0x40, s26  }
.Ltmp2:
0x1b: {  	(pc) =	sbr.rel @p1 .LBB2_2-.Ltmp2, $2  }
0x1c: {  	_ =	sdelay $0x2  }
0x1d: {  	s28 =	sshra.s32 s28, $0x2  }
0x1e: {  	[tilespmem:s28+$0x1E180] =	vst v1;
	s26 =	simm.s32 $0x0;
	s28 =	simm.s32 $0x0  }
.LBB2_4:
0x1f: {  	s29 =	smul.u32 $0x140, s28;
	_ =	sdelay $0x1  }
0x20: {  	s30 =	sadd.s32 s4, s29  }
0x21: {  	s29 =	sshll.u32 s30, $0x4  }
0x22: {  	s31 =	sadd.s32 s5, s29  }
0x23: {  	[tilespmem:s26], [sflag:$0x1] =	stream.linear.gather [hbm4b:s31+s26], $0xA000, $0x38;
	[tilespmem:$0x1F180] =	vst v63  }
0x24: {  	_ =	swait.ge [sflag:s18], $0xA000  }
0x25: {  	[sflag:s18] =	ssyncset.done $0x0  }
0x26: {  	s31 =	sadd.s32 s6, s29;
	[sflag:s18] =	ssyncadd.s32 $0xFFFF6000  }
0x27: {  	[tilespmem:s19], [sflag:$0x1] =	stream.linear.gather [hbm4b:s31+s26], $0xA000, $0x38;
	[tilespmem:$0x1F180] =	vst v63  }
0x28: {  	v7 =	vmov s26;
	_ =	swait.ge [sflag:s18], $0xA000  }
0x29: {  	v7 =	vshll.u32 v7, $0x7;
	s30 =	sshrl.u32 s30, $0x3;
	[sflag:s18] =	ssyncset.done $0x0  }
0x2a: {  	v7 =	vor.u32 v0, v7;
	s31 =	sadd.s32 s1, s30;
	s30 =	simm.s32 $0x1E000;
	[sflag:s18] =	ssyncadd.s32 $0xFFFF6000  }
0x2b: {  	[tilespmem:s30], [sflag:$0x1] =	stream.linear.gather [hbm4b:s31+s26], $0x140, $0x38;
	[tilespmem:$0x1F180] =	vst v63  }
0x2c: {  	_ =	swait.ge [sflag:s18], $0x140  }
0x2d: {  	[sflag:s18] =	ssyncset.done $0x0  }
0x2e: {  	[sflag:s18] =	ssyncadd.s32 $0xFFFFFEC0  }
0x2f: {  	v10 =	vld.idx.msk [tilespmem:v7+s3+$0x0], $0xffff  }
0x30: {  	v8 =	vor.u32 $0x1, v7;
	v11 =	vld.idx.msk [tilespmem:v7+s19+$0x0], $0xffff  }
0x31: {  	v9 =	vor.u32 $0x2, v7;
	_ =	sdelay $0x3  }
0x32: {  	v12 =	vld.idx.msk [tilespmem:v8+s3+$0x0], $0xffff;
	v10 =	vsub.f32 v10, v11  }
0x33: {  	v13 =	vld.idx.msk [tilespmem:v9+s19+$0x0], $0xffff  }
0x34: {  	v14 =	vld.idx.msk [tilespmem:v8+s19+$0x0], $0xffff;
	v15 =	vmul.f32 v10, v10  }
0x35: {  	v11 =	vld.idx.msk [tilespmem:v9+s3+$0x0], $0xffff  }
0x36: {  	v15 =	vadd.f32 $-1.000000000e+00, v15;
	_ =	sdelay $0x1  }
0x37: {  	v62 =	vmul.f32 $-4.000000000e+00, v15  }
0x38: {  	v12 =	vsub.f32 v12, v14  }
0x39: {  	v11 =	vsub.f32 v11, v13;
	v10 =	vmul.f32 v62, v10  }
0x3a: {  	v14 =	vmul.f32 v12, v12;
	v12 =	vsub.f32 $0.0e+00, v12  }
0x3b: {  	v16 =	vmul.f32 v11, v11;
	[tilespmem:v7+s20+$0x0] =	vst.idx.msk $0xffff, v10;
	v7 =	vsub.f32 $0.0e+00, v11  }
0x3c: {  	s31 =	simm.s32 $0x10;
	[tilespmem:v8+s20+$0x0] =	vst.idx.msk $0xffff, v12  }
0x3d: {  	v63 =	vadd.f32 v16, v14;
	v8 =	vmov s31;
	[tilespmem:v9+s20+$0x0] =	vst.idx.msk $0xffff, v7  }
0x3e: {  	v7 =	vshll.u32 v8, $0x7;
	v8 =	vld [tilespmem:s30+$0x0]  }
0x3f: {  	v10 =	vmul.f32 v15, v15;
	v11 =	vmul.f32 $5.000000000e-01, v63;
	_ =	sdelay $0x1  }
0x40: {  	s31 =	simm.s32 $0x20;
	v7 =	vor.u32 v0, v7;
	v9 =	vadd.f32 v11, v10  }
.LBB2_5:
0x41: {  	_ = 	snop  }
0x42: {  	p1 =	sne.s32 s31, $0x130  }
0x43: {  	s30 =	sadd.s32 $0x10, s30;
	s0 =	smov.u32 s31;
	s31 =	sadd.s32 $0x10, s31  }
0x44: {  	_ = 	snop  }
0x45: {  	[tilespmem:v8+s21+$0x0] =	vst.idx.add.f32.msk $0xffff, v9  }
0x46: {  	v8 =	vld.idx.msk [tilespmem:v7+s3+$0x0], $0xffff  }
0x47: {  	v9 =	vor.u32 $0x1, v7;
	v10 =	vld.idx.msk [tilespmem:v7+s19+$0x0], $0xffff  }
0x48: {  	v11 =	vor.u32 $0x2, v7;
	_ =	sdelay $0x3  }
0x49: {  	v12 =	vld.idx.msk [tilespmem:v9+s3+$0x0], $0xffff  }
0x4a: {  	v8 =	vsub.f32 v8, v10;
	v13 =	vld.idx.msk [tilespmem:v11+s19+$0x0], $0xffff  }
0x4b: {  	v10 =	vld.idx.msk [tilespmem:v9+s19+$0x0], $0xffff  }
0x4c: {  	v15 =	vmul.f32 v8, v8;
	v14 =	vld.idx.msk [tilespmem:v11+s3+$0x0], $0xffff;
	_ =	sdelay $0x1  }
0x4d: {  	v15 =	vadd.f32 $-1.000000000e+00, v15;
	_ =	sdelay $0x1  }
0x4e: {  	v16 =	vmul.f32 $-4.000000000e+00, v15  }
0x4f: {  	v10 =	vsub.f32 v12, v10  }
0x50: {  	v12 =	vsub.f32 v14, v13;
	v8 =	vmul.f32 v16, v8  }
0x51: {  	v13 =	vsub.f32 $0.0e+00, v10  }
0x52: {  	[tilespmem:v7+s20+$0x0] =	vst.idx.msk $0xffff, v8;
	v7 =	vsub.f32 $0.0e+00, v12;
	v8 =	vmul.f32 v10, v10;
	v10 =	vmul.f32 v12, v12  }
0x53: {  	[tilespmem:v9+s20+$0x0] =	vst.idx.msk $0xffff, v13  }
.Ltmp3:
0x54: {  	[tilespmem:v11+s20+$0x0] =	vst.idx.msk $0xffff, v7;
	v7 =	vadd.f32 v10, v8;
	(pc) =	sbr.rel @p1 .LBB2_5-.Ltmp3, $4  }
0x55: {  	v8 =	vld [tilespmem:s30+$0x0]  }
0x56: {  	v9 =	vmov s0;
	v10 =	vmul.f32 v15, v15;
	v11 =	vmul.f32 $5.000000000e-01, v7  }
0x57: {  	v7 =	vshll.u32 v9, $0x7  }
0x58: {  	v7 =	vor.u32 v0, v7;
	v9 =	vadd.f32 v11, v10  }
0x59: {  	_ =	sdelay $0x4  }
0x5a: {  	[tilespmem:v8+s21+$0x0] =	vst.idx.add.f32.msk $0xffff, v9  }
0x5b: {  	v8 =	vld.idx.msk [tilespmem:v7+s3+$0x0], $0xffff  }
0x5c: {  	v62 =	vor.u32 $0x1, v7;
	v10 =	vld.idx.msk [tilespmem:v7+s19+$0x0], $0xffff  }
0x5d: {  	v11 =	vor.u32 $0x2, v7;
	_ =	sdelay $0x3  }
0x5e: {  	v12 =	vld.idx.msk [tilespmem:v62+s3+$0x0], $0xffff;
	v8 =	vsub.f32 v8, v10  }
0x5f: {  	v63 =	vld.idx.msk [tilespmem:v11+s19+$0x0], $0xffff  }
0x60: {  	v13 =	vld.idx.msk [tilespmem:v62+s19+$0x0], $0xffff;
	v14 =	vmul.f32 v8, v8  }
0x61: {  	v15 =	vld.idx.msk [tilespmem:v11+s3+$0x0], $0xffff  }
0x62: {  	v14 =	vadd.f32 $-1.000000000e+00, v14;
	_ =	sdelay $0x1  }
0x63: {  	v16 =	vmul.f32 $-4.000000000e+00, v14  }
0x64: {  	v12 =	vsub.f32 v12, v13  }
0x65: {  	v10 =	vsub.f32 v15, v63;
	v8 =	vmul.f32 v16, v8  }
0x66: {  	v13 =	vsub.f32 $0.0e+00, v12  }
0x67: {  	[tilespmem:v7+s20+$0x0] =	vst.idx.msk $0xffff, v8;
	v7 =	vsub.f32 $0.0e+00, v10  }
0x68: {  	[tilespmem:v62+s20+$0x0] =	vst.idx.msk $0xffff, v13  }
0x69: {  	s0 =	sadd.s32 $0x10, s30;
	[tilespmem:v11+s20+$0x0] =	vst.idx.msk $0xffff, v7  }
0x6a: {  	v8 =	vmul.f32 v10, v10;
	v7 =	vmul.f32 v12, v12;
	v9 =	vld [tilespmem:s0+$0x0];
	_ =	sdelay $0x1  }
0x6b: {  	v7 =	vadd.f32 v8, v7;
	_ =	sdelay $0x1  }
0x6c: {  	v8 =	vmul.f32 v14, v14;
	v7 =	vmul.f32 $5.000000000e-01, v7;
	_ =	sdelay $0x1  }
0x6d: {  	s28 =	sadd.s32 $0x1, s28;
	v7 =	vadd.f32 v7, v8  }
0x6e: {  	p1 =	sne.s32 s28, $0x4E  }
.Ltmp4:
0x6f: {  	s31 =	sadd.s32 s7, s29;
	[tilespmem:v9+s21+$0x0] =	vst.idx.add.f32.msk $0xffff, v7;
	(pc) =	sbr.rel @p1 .LBB2_4-.Ltmp4, $4  }
0x70: {  	[hbm4b:s31+s3] =	stream.linear.scatter [tilespmem:s20], [sflag:$0x1], $0xA000, $0x38;
	[tilespmem:$0x1F180] =	vst v63  }
0x71: {  	_ =	swait.ge [sflag:s18], $0xA000  }
0x72: {  	[sflag:s18] =	ssyncset.done $0x0  }
0x73: {  	[sflag:s18] =	ssyncadd.s32 $0xFFFF6000  }
0x74: {  	[tilespmem:s3], [sflag:$0x1] =	stream.linear.gather [hbm4b:s8+s3], $0x1000, $0x38;
	[tilespmem:$0x1F180] =	vst v63  }
0x75: {  	_ =	swait.ge [sflag:s18], $0x1000  }
0x76: {  	[sflag:s18] =	ssyncset.done $0x0  }
0x77: {  	[sflag:s18] =	ssyncadd.s32 $0xFFFFF000  }
0x78: {  	[tilespmem:s19], [sflag:$0x1] =	stream.linear.gather [hbm4b:s9+s3], $0x1000, $0x38;
	[tilespmem:$0x1F180] =	vst v63  }
0x79: {  	_ =	swait.ge [sflag:s18], $0x1000  }
0x7a: {  	[sflag:s18] =	ssyncset.done $0x0  }
0x7b: {  	[sflag:s18] =	ssyncadd.s32 $0xFFFFF000  }
0x7c: {  	[tilespmem:s22], [sflag:$0x1] =	stream.linear.gather [hbm4b:s10+s3], $0x20, $0x38;
	[tilespmem:$0x1F180] =	vst v63  }
0x7d: {  	_ =	swait.ge [sflag:s18], $0x20  }
0x7e: {  	[sflag:s18] =	ssyncset.done $0x0  }
0x7f: {  	[sflag:s18] =	ssyncadd.s32 $0xFFFFFFE0  }
0x80: {  	v7 =	vld.idx.msk [tilespmem:v0+s3+$0x0], $0xffff  }
0x81: {  	v8 =	vld.idx.msk [tilespmem:v0+s19+$0x0], $0xffff;
	_ =	sdelay $0x4  }
0x82: {  	v9 =	vld.idx.msk [tilespmem:v2+s3+$0x0], $0xffff;
	v7 =	vsub.f32 v7, v8  }
0x83: {  	v10 =	vld.idx.msk [tilespmem:v2+s19+$0x0], $0xffff  }
0x84: {  	v12 =	vld.idx.msk [tilespmem:v3+s19+$0x0], $0xffff;
	v11 =	vmul.f32 v7, v7  }
0x85: {  	v8 =	vld.idx.msk [tilespmem:v3+s3+$0x0], $0xffff  }
0x86: {  	v11 =	vadd.f32 $-1.000000000e+00, v11;
	_ =	sdelay $0x1  }
0x87: {  	v13 =	vmul.f32 $-4.000000000e+00, v11  }
0x88: {  	v9 =	vsub.f32 v9, v10  }
0x89: {  	v8 =	vsub.f32 v8, v12;
	v7 =	vmul.f32 v13, v7  }
0x8a: {  	v10 =	vsub.f32 $0.0e+00, v9  }
0x8b: {  	[tilespmem:v0+s20+$0x0] =	vst.idx.msk $0xffff, v7;
	v7 =	vsub.f32 $0.0e+00, v8  }
0x8c: {  	[tilespmem:v2+s20+$0x0] =	vst.idx.msk $0xffff, v10  }
0x8d: {  	[tilespmem:v3+s20+$0x0] =	vst.idx.msk $0xffff, v7  }
0x8e: {  	v8 =	vmul.f32 v8, v8;
	v7 =	vmul.f32 v9, v9;
	v59 =	vld [tilespmem:$0x1E000];
	_ =	sdelay $0x1  }
0x8f: {  	v7 =	vadd.f32 v8, v7;
	_ =	sdelay $0x1  }
0x90: {  	v8 =	vmul.f32 v11, v11;
	v7 =	vmul.f32 $5.000000000e-01, v7;
	_ =	sdelay $0x1  }
0x91: {  	v7 =	vadd.f32 v7, v8;
	_ =	sdelay $0x1  }
0x92: {  	[tilespmem:v59+s21+$0x0] =	vst.idx.add.f32.msk $0xffff, v7  }
0x93: {  	v7 =	vld.idx.msk [tilespmem:v4+s3+$0x0], $0xffff  }
0x94: {  	v8 =	vld.idx.msk [tilespmem:v4+s19+$0x0], $0xffff;
	_ =	sdelay $0x4  }
0x95: {  	v9 =	vld.idx.msk [tilespmem:v5+s3+$0x0], $0xffff;
	v7 =	vsub.f32 v7, v8  }
0x96: {  	v10 =	vld.idx.msk [tilespmem:v5+s19+$0x0], $0xffff  }
0x97: {  	v61 =	vld.idx.msk [tilespmem:v6+s19+$0x0], $0xffff;
	v60 =	vmul.f32 v7, v7  }
0x98: {  	v8 =	vld.idx.msk [tilespmem:v6+s3+$0x0], $0xffff  }
0x99: {  	v11 =	vadd.f32 $-1.000000000e+00, v60;
	_ =	sdelay $0x1  }
0x9a: {  	v62 =	vmul.f32 $-4.000000000e+00, v11  }
0x9b: {  	v9 =	vsub.f32 v9, v10  }
0x9c: {  	v8 =	vsub.f32 v8, v61;
	v7 =	vmul.f32 v62, v7  }
0x9d: {  	v10 =	vsub.f32 $0.0e+00, v9  }
0x9e: {  	[tilespmem:v4+s20+$0x0] =	vst.idx.msk $0xffff, v7;
	v7 =	vsub.f32 $0.0e+00, v8  }
0x9f: {  	[tilespmem:v5+s20+$0x0] =	vst.idx.msk $0xffff, v10  }
0xa0: {  	[tilespmem:v6+s20+$0x0] =	vst.idx.msk $0xffff, v7  }
0xa1: {  	v8 =	vmul.f32 v8, v8;
	v7 =	vmul.f32 v9, v9;
	v63 =	vld [tilespmem:$0x1E010];
	_ =	sdelay $0x1  }
0xa2: {  	v7 =	vadd.f32 v8, v7;
	_ =	sdelay $0x1  }
0xa3: {  	v8 =	vmul.f32 v11, v11;
	v7 =	vmul.f32 $5.000000000e-01, v7;
	_ =	sdelay $0x1  }
0xa4: {  	v7 =	vadd.f32 v7, v8;
	_ =	sdelay $0x1  }
.Ltmp5:
0xa5: {  	[tilespmem:v63+s21+$0x0] =	vst.idx.add.f32.msk $0xffff, v7;
	(pc) =	sbr.rel @p0 .LBB2_11-.Ltmp5, $4  }
0xa6: {  	[hbm4b:s11+s3] =	stream.linear.scatter [tilespmem:s20], [sflag:$0x1], $0x1000, $0x38;
	[tilespmem:$0x1F180] =	vst v63  }
0xa7: {  	_ =	swait.ge [sflag:s18], $0x1000  }
0xa8: {  	[sflag:s18] =	ssyncset.done $0x0  }
0xa9: {  	[sflag:s18] =	ssyncadd.s32 $0xFFFFF000  }
0xaa: {  	s0 =	simm.s32 $0x0  }
0xab: {  	[tilespmem:s0], [sflag:$0x1] =	stream.linear.gather [hbm4b:s12+s0], $0x8000, $0x38;
	[tilespmem:$0x1F180] =	vst v63  }
0xac: {  	_ =	swait.ge [sflag:s18], $0x8000  }
0xad: {  	[sflag:s18] =	ssyncset.done $0x0  }
0xae: {  	[sflag:s18] =	ssyncadd.s32 $0xFFFF8000  }
0xaf: {  	[tilespmem:s19], [sflag:$0x1] =	stream.linear.gather [hbm4b:s13+s0], $0x8000, $0x38;
	[tilespmem:$0x1F180] =	vst v63  }
0xb0: {  	v7 =	vmov s0;
	_ =	swait.ge [sflag:s18], $0x8000  }
0xb1: {  	v7 =	vshll.u32 v7, $0x7;
	[sflag:s18] =	ssyncset.done $0x0  }
0xb2: {  	s26 =	simm.s32 $0x1E000;
	v7 =	vor.u32 v0, v7;
	[sflag:s18] =	ssyncadd.s32 $0xFFFF8000  }
0xb3: {  	[tilespmem:s26], [sflag:$0x1] =	stream.linear.gather [hbm4b:s14+s0], $0x100, $0x38;
	[tilespmem:$0x1F180] =	vst v63  }
0xb4: {  	_ =	swait.ge [sflag:s18], $0x100  }
0xb5: {  	[sflag:s18] =	ssyncset.done $0x0  }
0xb6: {  	[sflag:s18] =	ssyncadd.s32 $0xFFFFFF00  }
0xb7: {  	v10 =	vld.idx.msk [tilespmem:v7+s3+$0x0], $0xffff  }
0xb8: {  	v8 =	vor.u32 $0x1, v7;
	v11 =	vld.idx.msk [tilespmem:v7+s19+$0x0], $0xffff  }
0xb9: {  	v9 =	vor.u32 $0x2, v7;
	_ =	sdelay $0x3  }
0xba: {  	v12 =	vld.idx.msk [tilespmem:v8+s3+$0x0], $0xffff;
	v10 =	vsub.f32 v10, v11  }
0xbb: {  	v13 =	vld.idx.msk [tilespmem:v9+s19+$0x0], $0xffff  }
0xbc: {  	v14 =	vld.idx.msk [tilespmem:v8+s19+$0x0], $0xffff;
	v15 =	vmul.f32 v10, v10  }
0xbd: {  	v11 =	vld.idx.msk [tilespmem:v9+s3+$0x0], $0xffff  }
0xbe: {  	v15 =	vadd.f32 $-1.000000000e+00, v15;
	_ =	sdelay $0x1  }
0xbf: {  	v62 =	vmul.f32 $-4.000000000e+00, v15  }
0xc0: {  	v12 =	vsub.f32 v12, v14  }
0xc1: {  	v11 =	vsub.f32 v11, v13;
	v10 =	vmul.f32 v62, v10  }
0xc2: {  	v14 =	vmul.f32 v12, v12;
	v12 =	vsub.f32 $0.0e+00, v12  }
0xc3: {  	v16 =	vmul.f32 v11, v11;
	[tilespmem:v7+s20+$0x0] =	vst.idx.msk $0xffff, v10;
	v7 =	vsub.f32 $0.0e+00, v11  }
0xc4: {  	s31 =	simm.s32 $0x10;
	[tilespmem:v8+s20+$0x0] =	vst.idx.msk $0xffff, v12  }
0xc5: {  	v63 =	vadd.f32 v16, v14;
	v8 =	vmov s31;
	[tilespmem:v9+s20+$0x0] =	vst.idx.msk $0xffff, v7  }
0xc6: {  	v7 =	vshll.u32 v8, $0x7;
	v8 =	vld [tilespmem:s26+$0x0]  }
0xc7: {  	v10 =	vmul.f32 v15, v15;
	v11 =	vmul.f32 $5.000000000e-01, v63;
	_ =	sdelay $0x1  }
0xc8: {  	s28 =	simm.s32 $0x20;
	v7 =	vor.u32 v0, v7;
	v9 =	vadd.f32 v11, v10  }
.LBB2_9:
0xc9: {  	_ = 	snop  }
0xca: {  	p1 =	sne.s32 s28, $0xF0  }
0xcb: {  	s26 =	sadd.s32 $0x10, s26;
	s0 =	smov.u32 s28;
	s28 =	sadd.s32 $0x10, s28  }
0xcc: {  	_ = 	snop  }
0xcd: {  	[tilespmem:v8+s21+$0x0] =	vst.idx.add.f32.msk $0xffff, v9  }
0xce: {  	v8 =	vld.idx.msk [tilespmem:v7+s3+$0x0], $0xffff  }
0xcf: {  	v9 =	vor.u32 $0x1, v7;
	v10 =	vld.idx.msk [tilespmem:v7+s19+$0x0], $0xffff  }
0xd0: {  	v11 =	vor.u32 $0x2, v7;
	_ =	sdelay $0x3  }
0xd1: {  	v12 =	vld.idx.msk [tilespmem:v9+s3+$0x0], $0xffff  }
0xd2: {  	v8 =	vsub.f32 v8, v10;
	v13 =	vld.idx.msk [tilespmem:v11+s19+$0x0], $0xffff  }
0xd3: {  	v10 =	vld.idx.msk [tilespmem:v9+s19+$0x0], $0xffff  }
0xd4: {  	v15 =	vmul.f32 v8, v8;
	v14 =	vld.idx.msk [tilespmem:v11+s3+$0x0], $0xffff;
	_ =	sdelay $0x1  }
0xd5: {  	v15 =	vadd.f32 $-1.000000000e+00, v15;
	_ =	sdelay $0x1  }
0xd6: {  	v16 =	vmul.f32 $-4.000000000e+00, v15  }
0xd7: {  	v10 =	vsub.f32 v12, v10  }
0xd8: {  	v12 =	vsub.f32 v14, v13;
	v8 =	vmul.f32 v16, v8  }
0xd9: {  	v13 =	vsub.f32 $0.0e+00, v10  }
0xda: {  	[tilespmem:v7+s20+$0x0] =	vst.idx.msk $0xffff, v8;
	v7 =	vsub.f32 $0.0e+00, v12;
	v8 =	vmul.f32 v10, v10;
	v10 =	vmul.f32 v12, v12  }
0xdb: {  	[tilespmem:v9+s20+$0x0] =	vst.idx.msk $0xffff, v13  }
.Ltmp6:
0xdc: {  	[tilespmem:v11+s20+$0x0] =	vst.idx.msk $0xffff, v7;
	v7 =	vadd.f32 v10, v8;
	(pc) =	sbr.rel @p1 .LBB2_9-.Ltmp6, $4  }
0xdd: {  	v8 =	vld [tilespmem:s26+$0x0]  }
0xde: {  	v9 =	vmov s0;
	v10 =	vmul.f32 v15, v15;
	v11 =	vmul.f32 $5.000000000e-01, v7  }
0xdf: {  	v7 =	vshll.u32 v9, $0x7  }
0xe0: {  	v7 =	vor.u32 v0, v7;
	v9 =	vadd.f32 v11, v10  }
0xe1: {  	_ =	sdelay $0x4  }
0xe2: {  	[tilespmem:v8+s21+$0x0] =	vst.idx.add.f32.msk $0xffff, v9  }
0xe3: {  	v8 =	vld.idx.msk [tilespmem:v7+s3+$0x0], $0xffff  }
0xe4: {  	v62 =	vor.u32 $0x1, v7;
	v10 =	vld.idx.msk [tilespmem:v7+s19+$0x0], $0xffff  }
0xe5: {  	v11 =	vor.u32 $0x2, v7;
	_ =	sdelay $0x3  }
0xe6: {  	v12 =	vld.idx.msk [tilespmem:v62+s3+$0x0], $0xffff;
	v8 =	vsub.f32 v8, v10  }
0xe7: {  	v63 =	vld.idx.msk [tilespmem:v11+s19+$0x0], $0xffff  }
0xe8: {  	v13 =	vld.idx.msk [tilespmem:v62+s19+$0x0], $0xffff;
	v14 =	vmul.f32 v8, v8  }
0xe9: {  	v15 =	vld.idx.msk [tilespmem:v11+s3+$0x0], $0xffff  }
0xea: {  	v14 =	vadd.f32 $-1.000000000e+00, v14;
	_ =	sdelay $0x1  }
0xeb: {  	v16 =	vmul.f32 $-4.000000000e+00, v14  }
0xec: {  	v12 =	vsub.f32 v12, v13  }
0xed: {  	v10 =	vsub.f32 v15, v63;
	v8 =	vmul.f32 v16, v8  }
0xee: {  	v13 =	vsub.f32 $0.0e+00, v12  }
0xef: {  	[tilespmem:v7+s20+$0x0] =	vst.idx.msk $0xffff, v8;
	v7 =	vsub.f32 $0.0e+00, v10  }
0xf0: {  	[tilespmem:v62+s20+$0x0] =	vst.idx.msk $0xffff, v13  }
0xf1: {  	s0 =	sadd.s32 $0x10, s26;
	[tilespmem:v11+s20+$0x0] =	vst.idx.msk $0xffff, v7  }
0xf2: {  	v8 =	vmul.f32 v10, v10;
	v7 =	vmul.f32 v12, v12;
	v9 =	vld [tilespmem:s0+$0x0];
	_ =	sdelay $0x1  }
0xf3: {  	v7 =	vadd.f32 v8, v7;
	_ =	sdelay $0x1  }
0xf4: {  	v8 =	vmul.f32 v14, v14;
	v7 =	vmul.f32 $5.000000000e-01, v7;
	_ =	sdelay $0x1  }
0xf5: {  	v7 =	vadd.f32 v7, v8;
	_ =	sdelay $0x1  }
.Ltmp7:
0xf6: {  	[tilespmem:v9+s21+$0x0] =	vst.idx.add.f32.msk $0xffff, v7;
	(pc) =	sbr.rel .LBB2_11-.Ltmp7, $4  }
0xf7: {  	[hbm4b:s15+s3] =	stream.linear.scatter [tilespmem:s20], [sflag:$0x1], $0x8000, $0x38;
	[tilespmem:$0x1F180] =	vst v63  }
0xf8: {  	_ =	swait.ge [sflag:s18], $0x8000  }
0xf9: {  	[sflag:s18] =	ssyncset.done $0x0  }
0xfa: {  	[sflag:s18] =	ssyncadd.s32 $0xFFFF8000  }
.LBB2_12:
0xfb: {  	_ =	sfence.sel $0x180000  }
0xfc: {  	[bflag:$0x0] =	sbarrier.arrive $0xFFFF  }
0xfd: {  	_ =	strace $0x90000047  }
0xfe: {  	[bflag:$0x2] =	sbarrier.arrive $0xFFFF  }
0xff: {  	p0 =	sne.s32 s2, $0x0;
	s0 =	rddreg [dreg:$0x3]  }
0x100: {  	s0 =	sadd.s32 @!p0 $0x100000, s0  }
0x101: {  	[sflag:s0] =	ssyncadd.tile.s32 @!p0 $0x1;
	_ =	shalt  }
.Lfunc_end2:
_tile_overlayer_lowered:
.L_overlay_start_2:
0x102: {  	(tag) =	ssettag $0x2  }
0x103: {  	s0 =	rddreg [dreg:$0x0];
	s2 =	stileid.u32  }
0x104: {  	s1 =	rddreg [dreg:$0x1];
	p0 =	sne.s32 s2, $0x0  }
0x105: {  	s3 =	rddreg [dreg:$0x2];
	[bflag:$0x3] =	sbarrier.arrive $0xFFFF;
	s2 =	simm.s32 @!p0 $0x1C01  }
0x106: {  	[timem:s3], [sflag:s2] =	dma.local @!p0 [hbm:s0], s1  }
0x107: {  	s0 =	simm.s32 @!p0 $0x1  }
0x108: {  	_ =	swait.ge @!p0 [sflag:s0], s1  }
0x109: {  	s1 =	ssub.s32 @!p0 $0x0, s1;
	[sflag:s0] =	ssyncset.done @!p0 $0x0  }
0x10a: {  	[sflag:s0] =	ssyncadd.s32 @!p0 s1  }
0x10b: {  	[bflag:$0x3] =	sbarrier.arrive $0xFFFF  }
0x10c: {  	_ =	shalt  }

</sc_bundles>
